<compile_context>
chip_gen: v7x
topology: tpu7x:2x2x1
jax: 0.10.2.dev20260603
libtpu: 0.0.44.dev20260713+nightly
codegen_flags: <defaults>
</compile_context>

<pallas_src>
import jax
import jax.numpy as jnp
from jax import lax
from jax.experimental import pallas as pl
from jax.experimental.pallas import tpu as pltpu
from jax.experimental.pallas import tpu_sc as plsc

_MAX_DIST = 10.0
_GRID_RESOLUTION = 1.0
_BOX = 21
_ZPAD = 24
_NC = 2
_NS = 16
_ROWS_PER_SUB = 672
_ACC_ROWS = _ROWS_PER_SUB * _NS
_TRASH = _ACC_ROWS - 1
_CHUNK = 128


def _voxelize_body(ct_ref, vox_ref):
    x = ct_ref[0]
    y = ct_ref[1]
    z = ct_ref[2]
    gx = jnp.round((x + _MAX_DIST) / _GRID_RESOLUTION)
    gy = jnp.round((y + _MAX_DIST) / _GRID_RESOLUTION)
    gz = jnp.round((z + _MAX_DIST) / _GRID_RESOLUTION)
    hi = float(_BOX - 1)
    inb = ((gx >= 0.0) & (gx <= hi) & (gy >= 0.0) & (gy <= hi)
           & (gz >= 0.0) & (gz <= hi))
    gxc = jnp.clip(gx, 0.0, hi)
    gyc = jnp.clip(gy, 0.0, hi)
    gzc = jnp.clip(gz, 0.0, hi)
    v = (gxc * float(_BOX * _ZPAD) + gyc * float(_ZPAD) + gzc).astype(jnp.int32)
    vox_ref[...] = jnp.where(inb, v, _TRASH)


def _voxelize(coords3):
    _, r, c = coords3.shape
    return pl.pallas_call(
        _voxelize_body,
        out_shape=jax.ShapeDtypeStruct((r, c), jnp.int32),
    )(coords3)


_OUT_ROWS = _BOX * _BOX * _ZPAD


def _scatter_body(vox_hbm, feats_hbm, out_hbm,
                  idx_v, zbuf, feat_v, acc_sh, sem_i, sem0, sem1):
    c = lax.axis_index("c")
    s = lax.axis_index("s")
    tile = c * _NS + s
    n_chunks = idx_v.shape[0]
    f = feat_v.shape[2]
    rows_b = feats_hbm.shape[1]
    base0 = tile * n_chunks * _CHUNK
    sems = (sem0, sem1)

    def _feat_load(j, buf):
        p0 = base0 + j * _CHUNK
        return pltpu.async_copy(
            feats_hbm.at[p0 // rows_b, pl.ds(p0 % rows_b, _CHUNK)],
            feat_v.at[buf], sems[buf])

    h_idx = pltpu.async_copy(vox_hbm.at[pl.ds(tile * n_chunks, n_chunks)],
                             idx_v, sem_i)
    loads = [None] * n_chunks
    for j in range(min(2, n_chunks)):
        loads[j] = _feat_load(j, j % 2)

    def _zrow(i, carry):
        for q in range(f // 16):
            zbuf[i, pl.ds(16 * q, 16)] = jnp.zeros((16,), jnp.float32)
        return carry

    lax.fori_loop(0, _CHUNK, _zrow, 0)
    sbase = s * _ROWS_PER_SUB
    for kk in range(_ROWS_PER_SUB // _CHUNK):
        pltpu.sync_copy(zbuf, acc_sh.at[pl.ds(sbase + kk * _CHUNK, _CHUNK)])
    rem = _ROWS_PER_SUB % _CHUNK
    if rem:
        pltpu.sync_copy(
            zbuf.at[pl.ds(0, rem)],
            acc_sh.at[pl.ds(sbase + _ROWS_PER_SUB - rem, rem)])
    plsc.subcore_barrier()
    h_idx.wait()

    for j in range(n_chunks):
        loads[j].wait()
        pltpu.sync_copy(feat_v.at[j % 2], acc_sh.at[idx_v.at[j]], add=True)
        nxt = j + 2
        if nxt < n_chunks:
            loads[nxt] = _feat_load(nxt, nxt % 2)

    plsc.subcore_barrier()

    last = _OUT_ROWS - (_NS - 1) * _ROWS_PER_SUB

    @pl.when(s < _NS - 1)
    def _():
        pltpu.sync_copy(
            acc_sh.at[pl.ds(s * _ROWS_PER_SUB, _ROWS_PER_SUB)],
            out_hbm.at[c, pl.ds(s * _ROWS_PER_SUB, _ROWS_PER_SUB)])

    @pl.when(s == _NS - 1)
    def _():
        pltpu.sync_copy(
            acc_sh.at[pl.ds((_NS - 1) * _ROWS_PER_SUB, last)],
            out_hbm.at[c, pl.ds((_NS - 1) * _ROWS_PER_SUB, last)])


def _scatter(vox2d, feats2, f):
    n_chunks = vox2d.shape[0] // (_NC * _NS)
    mesh = plsc.VectorSubcoreMesh(core_axis_name="c", subcore_axis_name="s")
    k = pl.kernel(
        _scatter_body,
        out_type=jax.ShapeDtypeStruct((_NC, _OUT_ROWS, f), jnp.float32),
        mesh=mesh,
        compiler_params=pltpu.CompilerParams(use_tc_tiling_on_sc=False),
        scratch_types=[
            pltpu.VMEM((n_chunks, _CHUNK), jnp.int32),
            pltpu.VMEM((_CHUNK, f), jnp.float32),
            pltpu.VMEM((2, _CHUNK, f), jnp.float32),
            pltpu.VMEM_SHARED((_ACC_ROWS, f), jnp.float32),
            pltpu.SemaphoreType.DMA,
            pltpu.SemaphoreType.DMA,
            pltpu.SemaphoreType.DMA,
        ],
    )
    return k(vox2d, feats2)


def _combine_body(p_ref, out_ref):
    v = p_ref[0] + p_ref[1]
    out_ref[...] = v[None, :, :, :_BOX, :]


def _combine(partials5):
    f = partials5.shape[4]
    return pl.pallas_call(
        _combine_body,
        out_shape=jax.ShapeDtypeStruct((1, _BOX, _BOX, _BOX, f), jnp.float32),
    )(partials5)


def kernel(coords, features):
    b, n, _ = coords.shape
    f = features.shape[2]
    p = b * n
    assert p % (_NC * _NS * _CHUNK) == 0

    coords3 = coords.reshape(p // _CHUNK, _CHUNK, 3).transpose(2, 0, 1)
    vox2d = _voxelize(coords3)
    partials = _scatter(vox2d, features, f)
    partials5 = partials.reshape(_NC, _BOX, _BOX, _ZPAD, f)
    batch0 = _combine(partials5)
    grid = jnp.zeros((b, _BOX, _BOX, _BOX, f), jnp.float32)
    return lax.dynamic_update_slice(grid, batch0, (0, 0, 0, 0, 0))

# --- scband reference (transcript-rebuilt; emitter-appended) ---
"""Pipeline reference for scband-make-grid-36790689858049 (READ-ONLY COPY).

The authoritative reference and input builder live on the scoring server;
editing this copy changes nothing except your own understanding.
"""

import jax, jax.numpy as jnp
import numpy as np

MAX_DIST = 10.0
GRID_RESOLUTION = 1.0
BOX_SIZE = int(np.ceil(2 * MAX_DIST / GRID_RESOLUTION + 1))  # 21


def setup_inputs(seed: int = 0) -> dict:
    key = jax.random.key(seed)
    k1, k2 = jax.random.split(key)
    coords = jax.random.normal(k1, (16, 2048, 3), dtype=jnp.float32)
    features = jax.random.normal(k2, (16, 2048, 64), dtype=jnp.float32)
    return {"coords": coords, "features": features}


def reference(coords, features):
    # Faithful translation of MakeGrid.call (including the original's use of a
    # zero batch index for every scattered point, as in the TF code where
    # idx = concat([zeros, grid_coords_IN])).
    batches = coords.shape[0]
    num_features = features.shape[2]
    grid_coords = (coords + MAX_DIST) / GRID_RESOLUTION
    grid_coords = jnp.round(grid_coords).astype(jnp.int32)
    in_box = jnp.all((grid_coords >= 0) & (grid_coords < BOX_SIZE), axis=2)  # [B, N]
    # Equivalent of boolean_mask + scatter_nd(add on duplicates):
    # zero-out features outside the box and clamp their indices; adding zeros
    # at clamped positions leaves the result identical to masking.
    gc = jnp.clip(grid_coords, 0, BOX_SIZE - 1)
    feats = jnp.where(in_box[..., None], features, jnp.zeros_like(features))
    batch_idx = jnp.zeros(gc.shape[:2], dtype=jnp.int32)  # all zeros, faithful to original
    grid = jnp.zeros((batches, BOX_SIZE, BOX_SIZE, BOX_SIZE, num_features), dtype=features.dtype)
    grid = grid.at[batch_idx, gc[..., 0], gc[..., 1], gc[..., 2]].add(feats)
    return grid

if __name__ == "__main__":
    import jax
    _d = setup_inputs()
    print(jax.jit(kernel)(*tuple(_d.values())))

</pallas_src>

<mosaic_0001>
#map = affine_map<(d0, d1) -> (0, 0)>
#map1 = affine_map<(d0, d1) -> (0, 0, 0)>
module attributes {stable_mosaic.version = 14 : i64} {
  func.func @_scatter_body(%arg0: i32, %arg1: i32, %arg2: memref<256x128xi32, #tpu.memory_space<hbm>>, %arg3: memref<16x2048x64xf32, #tpu.memory_space<hbm>>, %arg4: memref<2x10584x64xf32, #tpu.memory_space<hbm>>, %arg5: memref<8x128xi32, #tpu.memory_space<vmem>>, %arg6: memref<128x64xf32, #tpu.memory_space<vmem>>, %arg7: memref<2x128x64xf32, #tpu.memory_space<vmem>>, %arg8: memref<10752x64xf32, #tpu.memory_space<vmem_shared>>, %arg9: memref<!tpu.dma_semaphore, #tpu.memory_space<semaphore_mem>>, %arg10: memref<!tpu.dma_semaphore, #tpu.memory_space<semaphore_mem>>, %arg11: memref<!tpu.dma_semaphore, #tpu.memory_space<semaphore_mem>>) attributes {dimension_semantics = [#tpu.dimension_semantics<core_parallel>, #tpu.dimension_semantics<subcore_parallel>], iteration_bounds = array<i64: 2, 16>, scalar_prefetch = 0 : i64, scratch_operands = 7 : i64, tpu.core_type = #tpu.core_type<sc_vector_subcore>, window_params = [{transform_indices = #map}, {transform_indices = #map1}, {transform_indices = #map1}]} {
    %mul3A = arith.constant 16 : i32
    %mul3A_0 = arith.muli %arg0, %mul3A : i32
    %add3A = arith.addi %mul3A_0, %arg1 : i32
    %mul3A_1 = arith.constant 8 : i32
    %mul3A_2 = arith.muli %add3A, %mul3A_1 : i32
    %mul3A_3 = arith.constant 128 : i32
    %mul3A_4 = arith.muli %mul3A_2, %mul3A_3 : i32
    %mul3A_5 = arith.constant 8 : i32
    %mul3A_6 = arith.muli %add3A, %mul3A_5 : i32
    %dma_start3A = arith.constant 0 : i32
    %dma_start3A_7 = tpu.memref_slice %arg2[%mul3A_6, %dma_start3A] : memref<256x128xi32, #tpu.memory_space<hbm>> -> memref<8x128xi32, #tpu.memory_space<hbm>>
    %dma_start3A_8 = arith.constant 0 : i32
    %dma_start3A_9 = tpu.memref_slice %arg2[%mul3A_6, %dma_start3A_8] : memref<256x128xi32, #tpu.memory_space<hbm>> -> memref<8x128xi32, #tpu.memory_space<hbm>>
    tpu.enqueue_dma source(%dma_start3A_9 : memref<8x128xi32, #tpu.memory_space<hbm>>) target(%arg5 : memref<8x128xi32, #tpu.memory_space<vmem>>) target_semaphore(%arg9 : memref<!tpu.dma_semaphore, #tpu.memory_space<semaphore_mem>>)
    %add3A_10 = arith.constant 0 : i32
    %add3A_11 = arith.addi %mul3A_4, %add3A_10 : i32
    %jit3A = arith.constant 2048 : i32
    %div3A = arith.divsi %add3A_11, %jit3A : i32
    %sign3A = arith.constant 0 : i32
    %sign3A_12 = arith.cmpi sgt, %add3A_11, %sign3A : i32
    %sign3A_13 = arith.extui %sign3A_12 : i1 to i32
    %sign3A_14 = arith.constant 0 : i32
    %sign3A_15 = arith.cmpi slt, %add3A_11, %sign3A_14 : i32
    %sign3A_16 = arith.extui %sign3A_15 : i1 to i32
    %sign3A_17 = arith.subi %sign3A_13, %sign3A_16 : i32
    %sign3A_18 = arith.constant 0 : i32
    %sign3A_19 = arith.cmpi sgt, %jit3A, %sign3A_18 : i32
    %sign3A_20 = arith.extui %sign3A_19 : i1 to i32
    %sign3A_21 = arith.constant 0 : i32
    %sign3A_22 = arith.cmpi slt, %jit3A, %sign3A_21 : i32
    %sign3A_23 = arith.extui %sign3A_22 : i1 to i32
    %sign3A_24 = arith.subi %sign3A_20, %sign3A_23 : i32
    %ne3A = arith.cmpi ne, %sign3A_17, %sign3A_24 : i32
    %rem3A = arith.remsi %add3A_11, %jit3A : i32
    %ne3A_25 = arith.constant 0 : i32
    %ne3A_26 = arith.cmpi ne, %rem3A, %ne3A_25 : i32
    %and3A = arith.andi %ne3A, %ne3A_26 : i1
    %sub3A = arith.constant 1 : i32
    %sub3A_27 = arith.subi %div3A, %sub3A : i32
    %select_n3A = arith.select %and3A, %sub3A_27, %div3A : i32
    %jit3A_28 = arith.constant 2048 : i32
    %eq3A = arith.constant 0 : i32
    %eq3A_29 = arith.cmpi eq, %jit3A_28, %eq3A : i32
    %jit3A_30 = arith.constant 1 : i32
    %select_n3A_31 = arith.select %eq3A_29, %jit3A_30, %jit3A_28 : i32
    %rem3A_32 = arith.remsi %add3A_11, %select_n3A_31 : i32
    %ne3A_33 = arith.constant 0 : i32
    %ne3A_34 = arith.cmpi ne, %rem3A_32, %ne3A_33 : i32
    %lt3A = arith.constant 0 : i32
    %lt3A_35 = arith.cmpi slt, %rem3A_32, %lt3A : i32
    %lt3A_36 = arith.constant 0 : i32
    %lt3A_37 = arith.cmpi slt, %select_n3A_31, %lt3A_36 : i32
    %ne3A_38 = arith.xori %lt3A_35, %lt3A_37 : i1
    %and3A_39 = arith.andi %ne3A_38, %ne3A_34 : i1
    %add3A_40 = arith.addi %rem3A_32, %select_n3A_31 : i32
    %select_n3A_41 = arith.select %and3A_39, %add3A_40, %rem3A_32 : i32
    %dma_start3A_42 = arith.constant 0 : i32
    %dma_start3A_43 = arith.constant 0 : i32
    %dma_start3A_44 = arith.constant 0 : i32
    %dma_start3A_45 = tpu.memref_slice %arg7[%dma_start3A_42, %dma_start3A_43, %dma_start3A_44] : memref<2x128x64xf32, #tpu.memory_space<vmem>> -> memref<1x128x64xf32, #tpu.memory_space<vmem>>
    %dma_start3A_46 = tpu.memref_squeeze %dma_start3A_45 : memref<1x128x64xf32, #tpu.memory_space<vmem>> -> memref<128x64xf32, #tpu.memory_space<vmem>>
    %dma_start3A_47 = arith.constant 0 : i32
    %dma_start3A_48 = tpu.memref_slice %arg3[%select_n3A, %select_n3A_41, %dma_start3A_47] : memref<16x2048x64xf32, #tpu.memory_space<hbm>> -> memref<1x128x64xf32, #tpu.memory_space<hbm>>
    %dma_start3A_49 = tpu.memref_squeeze %dma_start3A_48 : memref<1x128x64xf32, #tpu.memory_space<hbm>> -> memref<128x64xf32, #tpu.memory_space<hbm>>
    %dma_start3A_50 = arith.constant 0 : i32
    %dma_start3A_51 = arith.constant 0 : i32
    %dma_start3A_52 = tpu.memref_slice %arg7[%dma_start3A_42, %dma_start3A_50, %dma_start3A_51] : memref<2x128x64xf32, #tpu.memory_space<vmem>> -> memref<1x128x64xf32, #tpu.memory_space<vmem>>
    %dma_start3A_53 = tpu.memref_squeeze %dma_start3A_52 : memref<1x128x64xf32, #tpu.memory_space<vmem>> -> memref<128x64xf32, #tpu.memory_space<vmem>>
    %dma_start3A_54 = arith.constant 0 : i32
    %dma_start3A_55 = tpu.memref_slice %arg3[%select_n3A, %select_n3A_41, %dma_start3A_54] : memref<16x2048x64xf32, #tpu.memory_space<hbm>> -> memref<1x128x64xf32, #tpu.memory_space<hbm>>
    %dma_start3A_56 = tpu.memref_squeeze %dma_start3A_55 : memref<1x128x64xf32, #tpu.memory_space<hbm>> -> memref<128x64xf32, #tpu.memory_space<hbm>>
    tpu.enqueue_dma source(%dma_start3A_56 : memref<128x64xf32, #tpu.memory_space<hbm>>) target(%dma_start3A_53 : memref<128x64xf32, #tpu.memory_space<vmem>>) target_semaphore(%arg10 : memref<!tpu.dma_semaphore, #tpu.memory_space<semaphore_mem>>)
    %add3A_57 = arith.constant 128 : i32
    %add3A_58 = arith.addi %mul3A_4, %add3A_57 : i32
    %jit3A_59 = arith.constant 2048 : i32
    %div3A_60 = arith.divsi %add3A_58, %jit3A_59 : i32
    %sign3A_61 = arith.constant 0 : i32
    %sign3A_62 = arith.cmpi sgt, %add3A_58, %sign3A_61 : i32
    %sign3A_63 = arith.extui %sign3A_62 : i1 to i32
    %sign3A_64 = arith.constant 0 : i32
    %sign3A_65 = arith.cmpi slt, %add3A_58, %sign3A_64 : i32
    %sign3A_66 = arith.extui %sign3A_65 : i1 to i32
    %sign3A_67 = arith.subi %sign3A_63, %sign3A_66 : i32
    %sign3A_68 = arith.constant 0 : i32
    %sign3A_69 = arith.cmpi sgt, %jit3A_59, %sign3A_68 : i32
    %sign3A_70 = arith.extui %sign3A_69 : i1 to i32
    %sign3A_71 = arith.constant 0 : i32
    %sign3A_72 = arith.cmpi slt, %jit3A_59, %sign3A_71 : i32
    %sign3A_73 = arith.extui %sign3A_72 : i1 to i32
    %sign3A_74 = arith.subi %sign3A_70, %sign3A_73 : i32
    %ne3A_75 = arith.cmpi ne, %sign3A_67, %sign3A_74 : i32
    %rem3A_76 = arith.remsi %add3A_58, %jit3A_59 : i32
    %ne3A_77 = arith.constant 0 : i32
    %ne3A_78 = arith.cmpi ne, %rem3A_76, %ne3A_77 : i32
    %and3A_79 = arith.andi %ne3A_75, %ne3A_78 : i1
    %sub3A_80 = arith.constant 1 : i32
    %sub3A_81 = arith.subi %div3A_60, %sub3A_80 : i32
    %select_n3A_82 = arith.select %and3A_79, %sub3A_81, %div3A_60 : i32
    %jit3A_83 = arith.constant 2048 : i32
    %eq3A_84 = arith.constant 0 : i32
    %eq3A_85 = arith.cmpi eq, %jit3A_83, %eq3A_84 : i32
    %jit3A_86 = arith.constant 1 : i32
    %select_n3A_87 = arith.select %eq3A_85, %jit3A_86, %jit3A_83 : i32
    %rem3A_88 = arith.remsi %add3A_58, %select_n3A_87 : i32
    %ne3A_89 = arith.constant 0 : i32
    %ne3A_90 = arith.cmpi ne, %rem3A_88, %ne3A_89 : i32
    %lt3A_91 = arith.constant 0 : i32
    %lt3A_92 = arith.cmpi slt, %rem3A_88, %lt3A_91 : i32
    %lt3A_93 = arith.constant 0 : i32
    %lt3A_94 = arith.cmpi slt, %select_n3A_87, %lt3A_93 : i32
    %ne3A_95 = arith.xori %lt3A_92, %lt3A_94 : i1
    %and3A_96 = arith.andi %ne3A_95, %ne3A_90 : i1
    %add3A_97 = arith.addi %rem3A_88, %select_n3A_87 : i32
    %select_n3A_98 = arith.select %and3A_96, %add3A_97, %rem3A_88 : i32
    %dma_start3A_99 = arith.constant 1 : i32
    %dma_start3A_100 = arith.constant 0 : i32
    %dma_start3A_101 = arith.constant 0 : i32
    %dma_start3A_102 = tpu.memref_slice %arg7[%dma_start3A_99, %dma_start3A_100, %dma_start3A_101] : memref<2x128x64xf32, #tpu.memory_space<vmem>> -> memref<1x128x64xf32, #tpu.memory_space<vmem>>
    %dma_start3A_103 = tpu.memref_squeeze %dma_start3A_102 : memref<1x128x64xf32, #tpu.memory_space<vmem>> -> memref<128x64xf32, #tpu.memory_space<vmem>>
    %dma_start3A_104 = arith.constant 0 : i32
    %dma_start3A_105 = tpu.memref_slice %arg3[%select_n3A_82, %select_n3A_98, %dma_start3A_104] : memref<16x2048x64xf32, #tpu.memory_space<hbm>> -> memref<1x128x64xf32, #tpu.memory_space<hbm>>
    %dma_start3A_106 = tpu.memref_squeeze %dma_start3A_105 : memref<1x128x64xf32, #tpu.memory_space<hbm>> -> memref<128x64xf32, #tpu.memory_space<hbm>>
    %dma_start3A_107 = arith.constant 0 : i32
    %dma_start3A_108 = arith.constant 0 : i32
    %dma_start3A_109 = tpu.memref_slice %arg7[%dma_start3A_99, %dma_start3A_107, %dma_start3A_108] : memref<2x128x64xf32, #tpu.memory_space<vmem>> -> memref<1x128x64xf32, #tpu.memory_space<vmem>>
    %dma_start3A_110 = tpu.memref_squeeze %dma_start3A_109 : memref<1x128x64xf32, #tpu.memory_space<vmem>> -> memref<128x64xf32, #tpu.memory_space<vmem>>
    %dma_start3A_111 = arith.constant 0 : i32
    %dma_start3A_112 = tpu.memref_slice %arg3[%select_n3A_82, %select_n3A_98, %dma_start3A_111] : memref<16x2048x64xf32, #tpu.memory_space<hbm>> -> memref<1x128x64xf32, #tpu.memory_space<hbm>>
    %dma_start3A_113 = tpu.memref_squeeze %dma_start3A_112 : memref<1x128x64xf32, #tpu.memory_space<hbm>> -> memref<128x64xf32, #tpu.memory_space<hbm>>
    tpu.enqueue_dma source(%dma_start3A_113 : memref<128x64xf32, #tpu.memory_space<hbm>>) target(%dma_start3A_110 : memref<128x64xf32, #tpu.memory_space<vmem>>) target_semaphore(%arg11 : memref<!tpu.dma_semaphore, #tpu.memory_space<semaphore_mem>>)
    %scan3A = arith.constant 0 : i32
    %scan3A_114 = arith.constant 0 : i32
    %scan3A_115 = arith.constant 128 : i32
    %scan3A_116 = arith.addi %scan3A_114, %scan3A_115 : i32
    %scan3A_117 = arith.constant 1 : i32
    scf.for %scan3A_624 = %scan3A_114 to %scan3A_116 step %scan3A_117  : i32 {
      %broadcast_in_dim3A = arith.constant 0.000000e+00 : f32
      %broadcast_in_dim3A_625 = vector.broadcast %broadcast_in_dim3A : f32 to vector<16xf32>
      %swap3A = arith.index_cast %scan3A_624 : i32 to index
      %swap3A_626 = arith.constant 0 : index
      %swap3A_627 = tpu.vector_load %arg6[%swap3A, %swap3A_626] {strides = array<i32>} : memref<128x64xf32, #tpu.memory_space<vmem>>, vector<1x16xf32>,
      %swap3A_628 = vector.shape_cast %swap3A_627 : vector<1x16xf32> to vector<16xf32>
      %swap3A_629 = vector.shape_cast %broadcast_in_dim3A_625 : vector<16xf32> to vector<1x16xf32>
      tpu.vector_store %arg6[%swap3A, %swap3A_626], %swap3A_629 {strides = array<i32>} : memref<128x64xf32, #tpu.memory_space<vmem>>, vector<1x16xf32>,
      %broadcast_in_dim3A_630 = arith.constant 0.000000e+00 : f32
      %broadcast_in_dim3A_631 = vector.broadcast %broadcast_in_dim3A_630 : f32 to vector<16xf32>
      %swap3A_632 = arith.index_cast %scan3A_624 : i32 to index
      %swap3A_633 = arith.constant 16 : index
      %swap3A_634 = tpu.vector_load %arg6[%swap3A_632, %swap3A_633] {strides = array<i32>} : memref<128x64xf32, #tpu.memory_space<vmem>>, vector<1x16xf32>,
      %swap3A_635 = vector.shape_cast %swap3A_634 : vector<1x16xf32> to vector<16xf32>
      %swap3A_636 = vector.shape_cast %broadcast_in_dim3A_631 : vector<16xf32> to vector<1x16xf32>
      tpu.vector_store %arg6[%swap3A_632, %swap3A_633], %swap3A_636 {strides = array<i32>} : memref<128x64xf32, #tpu.memory_space<vmem>>, vector<1x16xf32>,
      %broadcast_in_dim3A_637 = arith.constant 0.000000e+00 : f32
      %broadcast_in_dim3A_638 = vector.broadcast %broadcast_in_dim3A_637 : f32 to vector<16xf32>
      %swap3A_639 = arith.index_cast %scan3A_624 : i32 to index
      %swap3A_640 = arith.constant 32 : index
      %swap3A_641 = tpu.vector_load %arg6[%swap3A_639, %swap3A_640] {strides = array<i32>} : memref<128x64xf32, #tpu.memory_space<vmem>>, vector<1x16xf32>,
      %swap3A_642 = vector.shape_cast %swap3A_641 : vector<1x16xf32> to vector<16xf32>
      %swap3A_643 = vector.shape_cast %broadcast_in_dim3A_638 : vector<16xf32> to vector<1x16xf32>
      tpu.vector_store %arg6[%swap3A_639, %swap3A_640], %swap3A_643 {strides = array<i32>} : memref<128x64xf32, #tpu.memory_space<vmem>>, vector<1x16xf32>,
      %broadcast_in_dim3A_644 = arith.constant 0.000000e+00 : f32
      %broadcast_in_dim3A_645 = vector.broadcast %broadcast_in_dim3A_644 : f32 to vector<16xf32>
      %swap3A_646 = arith.index_cast %scan3A_624 : i32 to index
      %swap3A_647 = arith.constant 48 : index
      %swap3A_648 = tpu.vector_load %arg6[%swap3A_646, %swap3A_647] {strides = array<i32>} : memref<128x64xf32, #tpu.memory_space<vmem>>, vector<1x16xf32>,
      %swap3A_649 = vector.shape_cast %swap3A_648 : vector<1x16xf32> to vector<16xf32>
      %swap3A_650 = vector.shape_cast %broadcast_in_dim3A_645 : vector<16xf32> to vector<1x16xf32>
      tpu.vector_store %arg6[%swap3A_646, %swap3A_647], %swap3A_650 {strides = array<i32>} : memref<128x64xf32, #tpu.memory_space<vmem>>, vector<1x16xf32>,
    }
    %scan3A_118 = arith.constant 128 : i32
    %mul3A_119 = arith.constant 672 : i32
    %mul3A_120 = arith.muli %arg1, %mul3A_119 : i32
    %add3A_121 = arith.constant 0 : i32
    %add3A_122 = arith.addi %mul3A_120, %add3A_121 : i32
    "tpu.region"() ({
      %run_scoped3A_624 = tpu.sem_alloc : memref<!tpu.dma_semaphore, #tpu.memory_space<semaphore_mem>>
      %dma_start3A_625 = arith.constant 0 : i32
      %dma_start3A_626 = tpu.memref_slice %arg8[%add3A_122, %dma_start3A_625] : memref<10752x64xf32, #tpu.memory_space<vmem_shared>> -> memref<128x64xf32, #tpu.memory_space<vmem_shared>>
      %dma_start3A_627 = arith.constant 0 : i32
      %dma_start3A_628 = tpu.memref_slice %arg8[%add3A_122, %dma_start3A_627] : memref<10752x64xf32, #tpu.memory_space<vmem_shared>> -> memref<128x64xf32, #tpu.memory_space<vmem_shared>>
      tpu.enqueue_dma source(%arg6 : memref<128x64xf32, #tpu.memory_space<vmem>>) target(%dma_start3A_628 : memref<128x64xf32, #tpu.memory_space<vmem_shared>>) target_semaphore(%run_scoped3A_624 : memref<!tpu.dma_semaphore, #tpu.memory_space<semaphore_mem>>)
      %dma_wait3A_629 = arith.constant 0 : i32
      %dma_wait3A_630 = tpu.memref_slice %arg8[%add3A_122, %dma_wait3A_629] : memref<10752x64xf32, #tpu.memory_space<vmem_shared>> -> memref<128x64xf32, #tpu.memory_space<vmem_shared>>
      %dma_wait3A_631 = arith.constant 0 : i32
      %dma_wait3A_632 = tpu.memref_slice %arg8[%add3A_122, %dma_wait3A_631] : memref<10752x64xf32, #tpu.memory_space<vmem_shared>> -> memref<128x64xf32, #tpu.memory_space<vmem_shared>>
      tpu.wait_dma2 semaphore(%run_scoped3A_624 : memref<!tpu.dma_semaphore, #tpu.memory_space<semaphore_mem>>) src(%arg6 : memref<128x64xf32, #tpu.memory_space<vmem>>) dst(%dma_wait3A_632 : memref<128x64xf32, #tpu.memory_space<vmem_shared>>)
      tpu.yield
    }) : () -> ()
    %add3A_123 = arith.constant 128 : i32
    %add3A_124 = arith.addi %mul3A_120, %add3A_123 : i32
    "tpu.region"() ({
      %run_scoped3A_624 = tpu.sem_alloc : memref<!tpu.dma_semaphore, #tpu.memory_space<semaphore_mem>>
      %dma_start3A_625 = arith.constant 0 : i32
      %dma_start3A_626 = tpu.memref_slice %arg8[%add3A_124, %dma_start3A_625] : memref<10752x64xf32, #tpu.memory_space<vmem_shared>> -> memref<128x64xf32, #tpu.memory_space<vmem_shared>>
      %dma_start3A_627 = arith.constant 0 : i32
      %dma_start3A_628 = tpu.memref_slice %arg8[%add3A_124, %dma_start3A_627] : memref<10752x64xf32, #tpu.memory_space<vmem_shared>> -> memref<128x64xf32, #tpu.memory_space<vmem_shared>>
      tpu.enqueue_dma source(%arg6 : memref<128x64xf32, #tpu.memory_space<vmem>>) target(%dma_start3A_628 : memref<128x64xf32, #tpu.memory_space<vmem_shared>>) target_semaphore(%run_scoped3A_624 : memref<!tpu.dma_semaphore, #tpu.memory_space<semaphore_mem>>)
      %dma_wait3A_629 = arith.constant 0 : i32
      %dma_wait3A_630 = tpu.memref_slice %arg8[%add3A_124, %dma_wait3A_629] : memref<10752x64xf32, #tpu.memory_space<vmem_shared>> -> memref<128x64xf32, #tpu.memory_space<vmem_shared>>
      %dma_wait3A_631 = arith.constant 0 : i32
      %dma_wait3A_632 = tpu.memref_slice %arg8[%add3A_124, %dma_wait3A_631] : memref<10752x64xf32, #tpu.memory_space<vmem_shared>> -> memref<128x64xf32, #tpu.memory_space<vmem_shared>>
      tpu.wait_dma2 semaphore(%run_scoped3A_624 : memref<!tpu.dma_semaphore, #tpu.memory_space<semaphore_mem>>) src(%arg6 : memref<128x64xf32, #tpu.memory_space<vmem>>) dst(%dma_wait3A_632 : memref<128x64xf32, #tpu.memory_space<vmem_shared>>)
      tpu.yield
    }) : () -> ()
    %add3A_125 = arith.constant 256 : i32
    %add3A_126 = arith.addi %mul3A_120, %add3A_125 : i32
    "tpu.region"() ({
      %run_scoped3A_624 = tpu.sem_alloc : memref<!tpu.dma_semaphore, #tpu.memory_space<semaphore_mem>>
      %dma_start3A_625 = arith.constant 0 : i32
      %dma_start3A_626 = tpu.memref_slice %arg8[%add3A_126, %dma_start3A_625] : memref<10752x64xf32, #tpu.memory_space<vmem_shared>> -> memref<128x64xf32, #tpu.memory_space<vmem_shared>>
      %dma_start3A_627 = arith.constant 0 : i32
      %dma_start3A_628 = tpu.memref_slice %arg8[%add3A_126, %dma_start3A_627] : memref<10752x64xf32, #tpu.memory_space<vmem_shared>> -> memref<128x64xf32, #tpu.memory_space<vmem_shared>>
      tpu.enqueue_dma source(%arg6 : memref<128x64xf32, #tpu.memory_space<vmem>>) target(%dma_start3A_628 : memref<128x64xf32, #tpu.memory_space<vmem_shared>>) target_semaphore(%run_scoped3A_624 : memref<!tpu.dma_semaphore, #tpu.memory_space<semaphore_mem>>)
      %dma_wait3A_629 = arith.constant 0 : i32
      %dma_wait3A_630 = tpu.memref_slice %arg8[%add3A_126, %dma_wait3A_629] : memref<10752x64xf32, #tpu.memory_space<vmem_shared>> -> memref<128x64xf32, #tpu.memory_space<vmem_shared>>
      %dma_wait3A_631 = arith.constant 0 : i32
      %dma_wait3A_632 = tpu.memref_slice %arg8[%add3A_126, %dma_wait3A_631] : memref<10752x64xf32, #tpu.memory_space<vmem_shared>> -> memref<128x64xf32, #tpu.memory_space<vmem_shared>>
      tpu.wait_dma2 semaphore(%run_scoped3A_624 : memref<!tpu.dma_semaphore, #tpu.memory_space<semaphore_mem>>) src(%arg6 : memref<128x64xf32, #tpu.memory_space<vmem>>) dst(%dma_wait3A_632 : memref<128x64xf32, #tpu.memory_space<vmem_shared>>)
      tpu.yield
    }) : () -> ()
    %add3A_127 = arith.constant 384 : i32
    %add3A_128 = arith.addi %mul3A_120, %add3A_127 : i32
    "tpu.region"() ({
      %run_scoped3A_624 = tpu.sem_alloc : memref<!tpu.dma_semaphore, #tpu.memory_space<semaphore_mem>>
      %dma_start3A_625 = arith.constant 0 : i32
      %dma_start3A_626 = tpu.memref_slice %arg8[%add3A_128, %dma_start3A_625] : memref<10752x64xf32, #tpu.memory_space<vmem_shared>> -> memref<128x64xf32, #tpu.memory_space<vmem_shared>>
      %dma_start3A_627 = arith.constant 0 : i32
      %dma_start3A_628 = tpu.memref_slice %arg8[%add3A_128, %dma_start3A_627] : memref<10752x64xf32, #tpu.memory_space<vmem_shared>> -> memref<128x64xf32, #tpu.memory_space<vmem_shared>>
      tpu.enqueue_dma source(%arg6 : memref<128x64xf32, #tpu.memory_space<vmem>>) target(%dma_start3A_628 : memref<128x64xf32, #tpu.memory_space<vmem_shared>>) target_semaphore(%run_scoped3A_624 : memref<!tpu.dma_semaphore, #tpu.memory_space<semaphore_mem>>)
      %dma_wait3A_629 = arith.constant 0 : i32
      %dma_wait3A_630 = tpu.memref_slice %arg8[%add3A_128, %dma_wait3A_629] : memref<10752x64xf32, #tpu.memory_space<vmem_shared>> -> memref<128x64xf32, #tpu.memory_space<vmem_shared>>
      %dma_wait3A_631 = arith.constant 0 : i32
      %dma_wait3A_632 = tpu.memref_slice %arg8[%add3A_128, %dma_wait3A_631] : memref<10752x64xf32, #tpu.memory_space<vmem_shared>> -> memref<128x64xf32, #tpu.memory_space<vmem_shared>>
      tpu.wait_dma2 semaphore(%run_scoped3A_624 : memref<!tpu.dma_semaphore, #tpu.memory_space<semaphore_mem>>) src(%arg6 : memref<128x64xf32, #tpu.memory_space<vmem>>) dst(%dma_wait3A_632 : memref<128x64xf32, #tpu.memory_space<vmem_shared>>)
      tpu.yield
    }) : () -> ()
    %add3A_129 = arith.constant 512 : i32
    %add3A_130 = arith.addi %mul3A_120, %add3A_129 : i32
    "tpu.region"() ({
      %run_scoped3A_624 = tpu.sem_alloc : memref<!tpu.dma_semaphore, #tpu.memory_space<semaphore_mem>>
      %dma_start3A_625 = arith.constant 0 : i32
      %dma_start3A_626 = tpu.memref_slice %arg8[%add3A_130, %dma_start3A_625] : memref<10752x64xf32, #tpu.memory_space<vmem_shared>> -> memref<128x64xf32, #tpu.memory_space<vmem_shared>>
      %dma_start3A_627 = arith.constant 0 : i32
      %dma_start3A_628 = tpu.memref_slice %arg8[%add3A_130, %dma_start3A_627] : memref<10752x64xf32, #tpu.memory_space<vmem_shared>> -> memref<128x64xf32, #tpu.memory_space<vmem_shared>>
      tpu.enqueue_dma source(%arg6 : memref<128x64xf32, #tpu.memory_space<vmem>>) target(%dma_start3A_628 : memref<128x64xf32, #tpu.memory_space<vmem_shared>>) target_semaphore(%run_scoped3A_624 : memref<!tpu.dma_semaphore, #tpu.memory_space<semaphore_mem>>)
      %dma_wait3A_629 = arith.constant 0 : i32
      %dma_wait3A_630 = tpu.memref_slice %arg8[%add3A_130, %dma_wait3A_629] : memref<10752x64xf32, #tpu.memory_space<vmem_shared>> -> memref<128x64xf32, #tpu.memory_space<vmem_shared>>
      %dma_wait3A_631 = arith.constant 0 : i32
      %dma_wait3A_632 = tpu.memref_slice %arg8[%add3A_130, %dma_wait3A_631] : memref<10752x64xf32, #tpu.memory_space<vmem_shared>> -> memref<128x64xf32, #tpu.memory_space<vmem_shared>>
      tpu.wait_dma2 semaphore(%run_scoped3A_624 : memref<!tpu.dma_semaphore, #tpu.memory_space<semaphore_mem>>) src(%arg6 : memref<128x64xf32, #tpu.memory_space<vmem>>) dst(%dma_wait3A_632 : memref<128x64xf32, #tpu.memory_space<vmem_shared>>)
      tpu.yield
    }) : () -> ()
    %add3A_131 = arith.constant 672 : i32
    %add3A_132 = arith.addi %mul3A_120, %add3A_131 : i32
    %sub3A_133 = arith.constant 32 : i32
    %sub3A_134 = arith.subi %add3A_132, %sub3A_133 : i32
    "tpu.region"() ({
      %run_scoped3A_624 = tpu.sem_alloc : memref<!tpu.dma_semaphore, #tpu.memory_space<semaphore_mem>>
      %dma_start3A_625 = arith.constant 0 : i32
      %dma_start3A_626 = arith.constant 0 : i32
      %dma_start3A_627 = tpu.memref_slice %arg6[%dma_start3A_625, %dma_start3A_626] : memref<128x64xf32, #tpu.memory_space<vmem>> -> memref<32x64xf32, #tpu.memory_space<vmem>>
      %dma_start3A_628 = arith.constant 0 : i32
      %dma_start3A_629 = tpu.memref_slice %arg8[%sub3A_134, %dma_start3A_628] : memref<10752x64xf32, #tpu.memory_space<vmem_shared>> -> memref<32x64xf32, #tpu.memory_space<vmem_shared>>
      %dma_start3A_630 = arith.constant 0 : i32
      %dma_start3A_631 = tpu.memref_slice %arg8[%sub3A_134, %dma_start3A_630] : memref<10752x64xf32, #tpu.memory_space<vmem_shared>> -> memref<32x64xf32, #tpu.memory_space<vmem_shared>>
      %dma_start3A_632 = arith.constant 0 : i32
      %dma_start3A_633 = arith.constant 0 : i32
      %dma_start3A_634 = tpu.memref_slice %arg6[%dma_start3A_632, %dma_start3A_633] : memref<128x64xf32, #tpu.memory_space<vmem>> -> memref<32x64xf32, #tpu.memory_space<vmem>>
      tpu.enqueue_dma source(%dma_start3A_634 : memref<32x64xf32, #tpu.memory_space<vmem>>) target(%dma_start3A_631 : memref<32x64xf32, #tpu.memory_space<vmem_shared>>) target_semaphore(%run_scoped3A_624 : memref<!tpu.dma_semaphore, #tpu.memory_space<semaphore_mem>>)
      %dma_wait3A_635 = arith.constant 0 : i32
      %dma_wait3A_636 = arith.constant 0 : i32
      %dma_wait3A_637 = tpu.memref_slice %arg6[%dma_wait3A_635, %dma_wait3A_636] : memref<128x64xf32, #tpu.memory_space<vmem>> -> memref<32x64xf32, #tpu.memory_space<vmem>>
      %dma_wait3A_638 = arith.constant 0 : i32
      %dma_wait3A_639 = tpu.memref_slice %arg8[%sub3A_134, %dma_wait3A_638] : memref<10752x64xf32, #tpu.memory_space<vmem_shared>> -> memref<32x64xf32, #tpu.memory_space<vmem_shared>>
      %dma_wait3A_640 = arith.constant 0 : i32
      %dma_wait3A_641 = tpu.memref_slice %arg8[%sub3A_134, %dma_wait3A_640] : memref<10752x64xf32, #tpu.memory_space<vmem_shared>> -> memref<32x64xf32, #tpu.memory_space<vmem_shared>>
      %dma_wait3A_642 = arith.constant 0 : i32
      %dma_wait3A_643 = arith.constant 0 : i32
      %dma_wait3A_644 = tpu.memref_slice %arg6[%dma_wait3A_642, %dma_wait3A_643] : memref<128x64xf32, #tpu.memory_space<vmem>> -> memref<32x64xf32, #tpu.memory_space<vmem>>
      tpu.wait_dma2 semaphore(%run_scoped3A_624 : memref<!tpu.dma_semaphore, #tpu.memory_space<semaphore_mem>>) src(%dma_wait3A_644 : memref<32x64xf32, #tpu.memory_space<vmem>>) dst(%dma_wait3A_641 : memref<32x64xf32, #tpu.memory_space<vmem_shared>>)
      tpu.yield
    }) : () -> ()
    %barrier3A = arith.constant 0 : index
    tpu.barrier barrier_id(%barrier3A)
    %dma_wait3A = arith.constant 0 : i32
    %dma_wait3A_135 = tpu.memref_slice %arg2[%mul3A_6, %dma_wait3A] : memref<256x128xi32, #tpu.memory_space<hbm>> -> memref<8x128xi32, #tpu.memory_space<hbm>>
    %dma_wait3A_136 = arith.constant 0 : i32
    %dma_wait3A_137 = tpu.memref_slice %arg2[%mul3A_6, %dma_wait3A_136] : memref<256x128xi32, #tpu.memory_space<hbm>> -> memref<8x128xi32, #tpu.memory_space<hbm>>
    tpu.wait_dma2 semaphore(%arg9 : memref<!tpu.dma_semaphore, #tpu.memory_space<semaphore_mem>>) src(%dma_wait3A_137 : memref<8x128xi32, #tpu.memory_space<hbm>>) dst(%arg5 : memref<8x128xi32, #tpu.memory_space<vmem>>)
    %dma_wait3A_138 = arith.constant 0 : i32
    %dma_wait3A_139 = arith.constant 0 : i32
    %dma_wait3A_140 = arith.constant 0 : i32
    %dma_wait3A_141 = tpu.memref_slice %arg7[%dma_wait3A_138, %dma_wait3A_139, %dma_wait3A_140] : memref<2x128x64xf32, #tpu.memory_space<vmem>> -> memref<1x128x64xf32, #tpu.memory_space<vmem>>
    %dma_wait3A_142 = tpu.memref_squeeze %dma_wait3A_141 : memref<1x128x64xf32, #tpu.memory_space<vmem>> -> memref<128x64xf32, #tpu.memory_space<vmem>>
    %dma_wait3A_143 = arith.constant 0 : i32
    %dma_wait3A_144 = tpu.memref_slice %arg3[%select_n3A, %select_n3A_41, %dma_wait3A_143] : memref<16x2048x64xf32, #tpu.memory_space<hbm>> -> memref<1x128x64xf32, #tpu.memory_space<hbm>>
    %dma_wait3A_145 = tpu.memref_squeeze %dma_wait3A_144 : memref<1x128x64xf32, #tpu.memory_space<hbm>> -> memref<128x64xf32, #tpu.memory_space<hbm>>
    %dma_wait3A_146 = arith.constant 0 : i32
    %dma_wait3A_147 = arith.constant 0 : i32
    %dma_wait3A_148 = tpu.memref_slice %arg7[%dma_wait3A_138, %dma_wait3A_146, %dma_wait3A_147] : memref<2x128x64xf32, #tpu.memory_space<vmem>> -> memref<1x128x64xf32, #tpu.memory_space<vmem>>
    %dma_wait3A_149 = tpu.memref_squeeze %dma_wait3A_148 : memref<1x128x64xf32, #tpu.memory_space<vmem>> -> memref<128x64xf32, #tpu.memory_space<vmem>>
    %dma_wait3A_150 = arith.constant 0 : i32
    %dma_wait3A_151 = tpu.memref_slice %arg3[%select_n3A, %select_n3A_41, %dma_wait3A_150] : memref<16x2048x64xf32, #tpu.memory_space<hbm>> -> memref<1x128x64xf32, #tpu.memory_space<hbm>>
    %dma_wait3A_152 = tpu.memref_squeeze %dma_wait3A_151 : memref<1x128x64xf32, #tpu.memory_space<hbm>> -> memref<128x64xf32, #tpu.memory_space<hbm>>
    tpu.wait_dma2 semaphore(%arg10 : memref<!tpu.dma_semaphore, #tpu.memory_space<semaphore_mem>>) src(%dma_wait3A_152 : memref<128x64xf32, #tpu.memory_space<hbm>>) dst(%dma_wait3A_149 : memref<128x64xf32, #tpu.memory_space<vmem>>)
    %run_scoped3A = arith.constant 0 : i32
    %run_scoped3A_153 = arith.constant 0 : i32
    "tpu.region"() ({
      %run_scoped3A_624 = tpu.sem_alloc : memref<!tpu.dma_semaphore, #tpu.memory_space<semaphore_mem>>
      %dma_start3A_625 = arith.constant 0 : i32
      %dma_start3A_626 = arith.constant 0 : i32
      %dma_start3A_627 = tpu.memref_slice %arg7[%run_scoped3A, %dma_start3A_625, %dma_start3A_626] : memref<2x128x64xf32, #tpu.memory_space<vmem>> -> memref<1x128x64xf32, #tpu.memory_space<vmem>>
      %dma_start3A_628 = tpu.memref_squeeze %dma_start3A_627 : memref<1x128x64xf32, #tpu.memory_space<vmem>> -> memref<128x64xf32, #tpu.memory_space<vmem>>
      %dma_start3A_629 = arith.constant 0 : i32
      %dma_start3A_630 = tpu.memref_slice %arg5[%run_scoped3A_153, %dma_start3A_629] : memref<8x128xi32, #tpu.memory_space<vmem>> -> memref<1x128xi32, #tpu.memory_space<vmem>>
      %dma_start3A_631 = tpu.memref_squeeze %dma_start3A_630 : memref<1x128xi32, #tpu.memory_space<vmem>> -> memref<128xi32, #tpu.memory_space<vmem>>
      %dma_start3A_632 = arith.constant 0 : i32
      %dma_start3A_633 = arith.constant 0 : i32
      %dma_start3A_634 = tpu.memref_slice %arg8[%dma_start3A_632, %dma_start3A_633] : memref<10752x64xf32, #tpu.memory_space<vmem_shared>> -> memref<10752x64xf32, #tpu.memory_space<vmem_shared>>
      tpu.enqueue_indirect_dma source(%dma_start3A_628 : memref<128x64xf32, #tpu.memory_space<vmem>>) target(%dma_start3A_634 : memref<10752x64xf32, #tpu.memory_space<vmem_shared>>) offsets(%dma_start3A_631 : memref<128xi32, #tpu.memory_space<vmem>>) semaphore(%run_scoped3A_624 : memref<!tpu.dma_semaphore, #tpu.memory_space<semaphore_mem>>) {add = true}
      %dma_wait3A_635 = arith.constant 0 : i32
      %dma_wait3A_636 = arith.constant 0 : i32
      %dma_wait3A_637 = tpu.memref_slice %arg7[%run_scoped3A, %dma_wait3A_635, %dma_wait3A_636] : memref<2x128x64xf32, #tpu.memory_space<vmem>> -> memref<1x128x64xf32, #tpu.memory_space<vmem>>
      %dma_wait3A_638 = tpu.memref_squeeze %dma_wait3A_637 : memref<1x128x64xf32, #tpu.memory_space<vmem>> -> memref<128x64xf32, #tpu.memory_space<vmem>>
      %dma_wait3A_639 = arith.constant 0 : i32
      %dma_wait3A_640 = tpu.memref_slice %arg5[%run_scoped3A_153, %dma_wait3A_639] : memref<8x128xi32, #tpu.memory_space<vmem>> -> memref<1x128xi32, #tpu.memory_space<vmem>>
      %dma_wait3A_641 = tpu.memref_squeeze %dma_wait3A_640 : memref<1x128xi32, #tpu.memory_space<vmem>> -> memref<128xi32, #tpu.memory_space<vmem>>
      %dma_wait3A_642 = arith.constant 0 : i32
      %dma_wait3A_643 = arith.constant 0 : i32
      %dma_wait3A_644 = tpu.memref_slice %arg8[%dma_wait3A_642, %dma_wait3A_643] : memref<10752x64xf32, #tpu.memory_space<vmem_shared>> -> memref<10752x64xf32, #tpu.memory_space<vmem_shared>>
      tpu.wait_indirect_dma semaphore(%run_scoped3A_624 : memref<!tpu.dma_semaphore, #tpu.memory_space<semaphore_mem>>) src(%dma_wait3A_638 : memref<128x64xf32, #tpu.memory_space<vmem>>) dst(%dma_wait3A_644 : memref<10752x64xf32, #tpu.memory_space<vmem_shared>>)
      tpu.yield
    }) : () -> ()
    %add3A_154 = arith.constant 256 : i32
    %add3A_155 = arith.addi %mul3A_4, %add3A_154 : i32
    %jit3A_156 = arith.constant 2048 : i32
    %div3A_157 = arith.divsi %add3A_155, %jit3A_156 : i32
    %sign3A_158 = arith.constant 0 : i32
    %sign3A_159 = arith.cmpi sgt, %add3A_155, %sign3A_158 : i32
    %sign3A_160 = arith.extui %sign3A_159 : i1 to i32
    %sign3A_161 = arith.constant 0 : i32
    %sign3A_162 = arith.cmpi slt, %add3A_155, %sign3A_161 : i32
    %sign3A_163 = arith.extui %sign3A_162 : i1 to i32
    %sign3A_164 = arith.subi %sign3A_160, %sign3A_163 : i32
    %sign3A_165 = arith.constant 0 : i32
    %sign3A_166 = arith.cmpi sgt, %jit3A_156, %sign3A_165 : i32
    %sign3A_167 = arith.extui %sign3A_166 : i1 to i32
    %sign3A_168 = arith.constant 0 : i32
    %sign3A_169 = arith.cmpi slt, %jit3A_156, %sign3A_168 : i32
    %sign3A_170 = arith.extui %sign3A_169 : i1 to i32
    %sign3A_171 = arith.subi %sign3A_167, %sign3A_170 : i32
    %ne3A_172 = arith.cmpi ne, %sign3A_164, %sign3A_171 : i32
    %rem3A_173 = arith.remsi %add3A_155, %jit3A_156 : i32
    %ne3A_174 = arith.constant 0 : i32
    %ne3A_175 = arith.cmpi ne, %rem3A_173, %ne3A_174 : i32
    %and3A_176 = arith.andi %ne3A_172, %ne3A_175 : i1
    %sub3A_177 = arith.constant 1 : i32
    %sub3A_178 = arith.subi %div3A_157, %sub3A_177 : i32
    %select_n3A_179 = arith.select %and3A_176, %sub3A_178, %div3A_157 : i32
    %jit3A_180 = arith.constant 2048 : i32
    %eq3A_181 = arith.constant 0 : i32
    %eq3A_182 = arith.cmpi eq, %jit3A_180, %eq3A_181 : i32
    %jit3A_183 = arith.constant 1 : i32
    %select_n3A_184 = arith.select %eq3A_182, %jit3A_183, %jit3A_180 : i32
    %rem3A_185 = arith.remsi %add3A_155, %select_n3A_184 : i32
    %ne3A_186 = arith.constant 0 : i32
    %ne3A_187 = arith.cmpi ne, %rem3A_185, %ne3A_186 : i32
    %lt3A_188 = arith.constant 0 : i32
    %lt3A_189 = arith.cmpi slt, %rem3A_185, %lt3A_188 : i32
    %lt3A_190 = arith.constant 0 : i32
    %lt3A_191 = arith.cmpi slt, %select_n3A_184, %lt3A_190 : i32
    %ne3A_192 = arith.xori %lt3A_189, %lt3A_191 : i1
    %and3A_193 = arith.andi %ne3A_192, %ne3A_187 : i1
    %add3A_194 = arith.addi %rem3A_185, %select_n3A_184 : i32
    %select_n3A_195 = arith.select %and3A_193, %add3A_194, %rem3A_185 : i32
    %dma_start3A_196 = arith.constant 0 : i32
    %dma_start3A_197 = arith.constant 0 : i32
    %dma_start3A_198 = arith.constant 0 : i32
    %dma_start3A_199 = tpu.memref_slice %arg7[%dma_start3A_196, %dma_start3A_197, %dma_start3A_198] : memref<2x128x64xf32, #tpu.memory_space<vmem>> -> memref<1x128x64xf32, #tpu.memory_space<vmem>>
    %dma_start3A_200 = tpu.memref_squeeze %dma_start3A_199 : memref<1x128x64xf32, #tpu.memory_space<vmem>> -> memref<128x64xf32, #tpu.memory_space<vmem>>
    %dma_start3A_201 = arith.constant 0 : i32
    %dma_start3A_202 = tpu.memref_slice %arg3[%select_n3A_179, %select_n3A_195, %dma_start3A_201] : memref<16x2048x64xf32, #tpu.memory_space<hbm>> -> memref<1x128x64xf32, #tpu.memory_space<hbm>>
    %dma_start3A_203 = tpu.memref_squeeze %dma_start3A_202 : memref<1x128x64xf32, #tpu.memory_space<hbm>> -> memref<128x64xf32, #tpu.memory_space<hbm>>
    %dma_start3A_204 = arith.constant 0 : i32
    %dma_start3A_205 = arith.constant 0 : i32
    %dma_start3A_206 = tpu.memref_slice %arg7[%dma_start3A_196, %dma_start3A_204, %dma_start3A_205] : memref<2x128x64xf32, #tpu.memory_space<vmem>> -> memref<1x128x64xf32, #tpu.memory_space<vmem>>
    %dma_start3A_207 = tpu.memref_squeeze %dma_start3A_206 : memref<1x128x64xf32, #tpu.memory_space<vmem>> -> memref<128x64xf32, #tpu.memory_space<vmem>>
    %dma_start3A_208 = arith.constant 0 : i32
    %dma_start3A_209 = tpu.memref_slice %arg3[%select_n3A_179, %select_n3A_195, %dma_start3A_208] : memref<16x2048x64xf32, #tpu.memory_space<hbm>> -> memref<1x128x64xf32, #tpu.memory_space<hbm>>
    %dma_start3A_210 = tpu.memref_squeeze %dma_start3A_209 : memref<1x128x64xf32, #tpu.memory_space<hbm>> -> memref<128x64xf32, #tpu.memory_space<hbm>>
    tpu.enqueue_dma source(%dma_start3A_210 : memref<128x64xf32, #tpu.memory_space<hbm>>) target(%dma_start3A_207 : memref<128x64xf32, #tpu.memory_space<vmem>>) target_semaphore(%arg10 : memref<!tpu.dma_semaphore, #tpu.memory_space<semaphore_mem>>)
    %dma_wait3A_211 = arith.constant 1 : i32
    %dma_wait3A_212 = arith.constant 0 : i32
    %dma_wait3A_213 = arith.constant 0 : i32
    %dma_wait3A_214 = tpu.memref_slice %arg7[%dma_wait3A_211, %dma_wait3A_212, %dma_wait3A_213] : memref<2x128x64xf32, #tpu.memory_space<vmem>> -> memref<1x128x64xf32, #tpu.memory_space<vmem>>
    %dma_wait3A_215 = tpu.memref_squeeze %dma_wait3A_214 : memref<1x128x64xf32, #tpu.memory_space<vmem>> -> memref<128x64xf32, #tpu.memory_space<vmem>>
    %dma_wait3A_216 = arith.constant 0 : i32
    %dma_wait3A_217 = tpu.memref_slice %arg3[%select_n3A_82, %select_n3A_98, %dma_wait3A_216] : memref<16x2048x64xf32, #tpu.memory_space<hbm>> -> memref<1x128x64xf32, #tpu.memory_space<hbm>>
    %dma_wait3A_218 = tpu.memref_squeeze %dma_wait3A_217 : memref<1x128x64xf32, #tpu.memory_space<hbm>> -> memref<128x64xf32, #tpu.memory_space<hbm>>
    %dma_wait3A_219 = arith.constant 0 : i32
    %dma_wait3A_220 = arith.constant 0 : i32
    %dma_wait3A_221 = tpu.memref_slice %arg7[%dma_wait3A_211, %dma_wait3A_219, %dma_wait3A_220] : memref<2x128x64xf32, #tpu.memory_space<vmem>> -> memref<1x128x64xf32, #tpu.memory_space<vmem>>
    %dma_wait3A_222 = tpu.memref_squeeze %dma_wait3A_221 : memref<1x128x64xf32, #tpu.memory_space<vmem>> -> memref<128x64xf32, #tpu.memory_space<vmem>>
    %dma_wait3A_223 = arith.constant 0 : i32
    %dma_wait3A_224 = tpu.memref_slice %arg3[%select_n3A_82, %select_n3A_98, %dma_wait3A_223] : memref<16x2048x64xf32, #tpu.memory_space<hbm>> -> memref<1x128x64xf32, #tpu.memory_space<hbm>>
    %dma_wait3A_225 = tpu.memref_squeeze %dma_wait3A_224 : memref<1x128x64xf32, #tpu.memory_space<hbm>> -> memref<128x64xf32, #tpu.memory_space<hbm>>
    tpu.wait_dma2 semaphore(%arg11 : memref<!tpu.dma_semaphore, #tpu.memory_space<semaphore_mem>>) src(%dma_wait3A_225 : memref<128x64xf32, #tpu.memory_space<hbm>>) dst(%dma_wait3A_222 : memref<128x64xf32, #tpu.memory_space<vmem>>)
    %run_scoped3A_226 = arith.constant 1 : i32
    %run_scoped3A_227 = arith.constant 1 : i32
    "tpu.region"() ({
      %run_scoped3A_624 = tpu.sem_alloc : memref<!tpu.dma_semaphore, #tpu.memory_space<semaphore_mem>>
      %dma_start3A_625 = arith.constant 0 : i32
      %dma_start3A_626 = arith.constant 0 : i32
      %dma_start3A_627 = tpu.memref_slice %arg7[%run_scoped3A_226, %dma_start3A_625, %dma_start3A_626] : memref<2x128x64xf32, #tpu.memory_space<vmem>> -> memref<1x128x64xf32, #tpu.memory_space<vmem>>
      %dma_start3A_628 = tpu.memref_squeeze %dma_start3A_627 : memref<1x128x64xf32, #tpu.memory_space<vmem>> -> memref<128x64xf32, #tpu.memory_space<vmem>>
      %dma_start3A_629 = arith.constant 0 : i32
      %dma_start3A_630 = tpu.memref_slice %arg5[%run_scoped3A_227, %dma_start3A_629] : memref<8x128xi32, #tpu.memory_space<vmem>> -> memref<1x128xi32, #tpu.memory_space<vmem>>
      %dma_start3A_631 = tpu.memref_squeeze %dma_start3A_630 : memref<1x128xi32, #tpu.memory_space<vmem>> -> memref<128xi32, #tpu.memory_space<vmem>>
      %dma_start3A_632 = arith.constant 0 : i32
      %dma_start3A_633 = arith.constant 0 : i32
      %dma_start3A_634 = tpu.memref_slice %arg8[%dma_start3A_632, %dma_start3A_633] : memref<10752x64xf32, #tpu.memory_space<vmem_shared>> -> memref<10752x64xf32, #tpu.memory_space<vmem_shared>>
      tpu.enqueue_indirect_dma source(%dma_start3A_628 : memref<128x64xf32, #tpu.memory_space<vmem>>) target(%dma_start3A_634 : memref<10752x64xf32, #tpu.memory_space<vmem_shared>>) offsets(%dma_start3A_631 : memref<128xi32, #tpu.memory_space<vmem>>) semaphore(%run_scoped3A_624 : memref<!tpu.dma_semaphore, #tpu.memory_space<semaphore_mem>>) {add = true}
      %dma_wait3A_635 = arith.constant 0 : i32
      %dma_wait3A_636 = arith.constant 0 : i32
      %dma_wait3A_637 = tpu.memref_slice %arg7[%run_scoped3A_226, %dma_wait3A_635, %dma_wait3A_636] : memref<2x128x64xf32, #tpu.memory_space<vmem>> -> memref<1x128x64xf32, #tpu.memory_space<vmem>>
      %dma_wait3A_638 = tpu.memref_squeeze %dma_wait3A_637 : memref<1x128x64xf32, #tpu.memory_space<vmem>> -> memref<128x64xf32, #tpu.memory_space<vmem>>
      %dma_wait3A_639 = arith.constant 0 : i32
      %dma_wait3A_640 = tpu.memref_slice %arg5[%run_scoped3A_227, %dma_wait3A_639] : memref<8x128xi32, #tpu.memory_space<vmem>> -> memref<1x128xi32, #tpu.memory_space<vmem>>
      %dma_wait3A_641 = tpu.memref_squeeze %dma_wait3A_640 : memref<1x128xi32, #tpu.memory_space<vmem>> -> memref<128xi32, #tpu.memory_space<vmem>>
      %dma_wait3A_642 = arith.constant 0 : i32
      %dma_wait3A_643 = arith.constant 0 : i32
      %dma_wait3A_644 = tpu.memref_slice %arg8[%dma_wait3A_642, %dma_wait3A_643] : memref<10752x64xf32, #tpu.memory_space<vmem_shared>> -> memref<10752x64xf32, #tpu.memory_space<vmem_shared>>
      tpu.wait_indirect_dma semaphore(%run_scoped3A_624 : memref<!tpu.dma_semaphore, #tpu.memory_space<semaphore_mem>>) src(%dma_wait3A_638 : memref<128x64xf32, #tpu.memory_space<vmem>>) dst(%dma_wait3A_644 : memref<10752x64xf32, #tpu.memory_space<vmem_shared>>)
      tpu.yield
    }) : () -> ()
    %add3A_228 = arith.constant 384 : i32
    %add3A_229 = arith.addi %mul3A_4, %add3A_228 : i32
    %jit3A_230 = arith.constant 2048 : i32
    %div3A_231 = arith.divsi %add3A_229, %jit3A_230 : i32
    %sign3A_232 = arith.constant 0 : i32
    %sign3A_233 = arith.cmpi sgt, %add3A_229, %sign3A_232 : i32
    %sign3A_234 = arith.extui %sign3A_233 : i1 to i32
    %sign3A_235 = arith.constant 0 : i32
    %sign3A_236 = arith.cmpi slt, %add3A_229, %sign3A_235 : i32
    %sign3A_237 = arith.extui %sign3A_236 : i1 to i32
    %sign3A_238 = arith.subi %sign3A_234, %sign3A_237 : i32
    %sign3A_239 = arith.constant 0 : i32
    %sign3A_240 = arith.cmpi sgt, %jit3A_230, %sign3A_239 : i32
    %sign3A_241 = arith.extui %sign3A_240 : i1 to i32
    %sign3A_242 = arith.constant 0 : i32
    %sign3A_243 = arith.cmpi slt, %jit3A_230, %sign3A_242 : i32
    %sign3A_244 = arith.extui %sign3A_243 : i1 to i32
    %sign3A_245 = arith.subi %sign3A_241, %sign3A_244 : i32
    %ne3A_246 = arith.cmpi ne, %sign3A_238, %sign3A_245 : i32
    %rem3A_247 = arith.remsi %add3A_229, %jit3A_230 : i32
    %ne3A_248 = arith.constant 0 : i32
    %ne3A_249 = arith.cmpi ne, %rem3A_247, %ne3A_248 : i32
    %and3A_250 = arith.andi %ne3A_246, %ne3A_249 : i1
    %sub3A_251 = arith.constant 1 : i32
    %sub3A_252 = arith.subi %div3A_231, %sub3A_251 : i32
    %select_n3A_253 = arith.select %and3A_250, %sub3A_252, %div3A_231 : i32
    %jit3A_254 = arith.constant 2048 : i32
    %eq3A_255 = arith.constant 0 : i32
    %eq3A_256 = arith.cmpi eq, %jit3A_254, %eq3A_255 : i32
    %jit3A_257 = arith.constant 1 : i32
    %select_n3A_258 = arith.select %eq3A_256, %jit3A_257, %jit3A_254 : i32
    %rem3A_259 = arith.remsi %add3A_229, %select_n3A_258 : i32
    %ne3A_260 = arith.constant 0 : i32
    %ne3A_261 = arith.cmpi ne, %rem3A_259, %ne3A_260 : i32
    %lt3A_262 = arith.constant 0 : i32
    %lt3A_263 = arith.cmpi slt, %rem3A_259, %lt3A_262 : i32
    %lt3A_264 = arith.constant 0 : i32
    %lt3A_265 = arith.cmpi slt, %select_n3A_258, %lt3A_264 : i32
    %ne3A_266 = arith.xori %lt3A_263, %lt3A_265 : i1
    %and3A_267 = arith.andi %ne3A_266, %ne3A_261 : i1
    %add3A_268 = arith.addi %rem3A_259, %select_n3A_258 : i32
    %select_n3A_269 = arith.select %and3A_267, %add3A_268, %rem3A_259 : i32
    %dma_start3A_270 = arith.constant 1 : i32
    %dma_start3A_271 = arith.constant 0 : i32
    %dma_start3A_272 = arith.constant 0 : i32
    %dma_start3A_273 = tpu.memref_slice %arg7[%dma_start3A_270, %dma_start3A_271, %dma_start3A_272] : memref<2x128x64xf32, #tpu.memory_space<vmem>> -> memref<1x128x64xf32, #tpu.memory_space<vmem>>
    %dma_start3A_274 = tpu.memref_squeeze %dma_start3A_273 : memref<1x128x64xf32, #tpu.memory_space<vmem>> -> memref<128x64xf32, #tpu.memory_space<vmem>>
    %dma_start3A_275 = arith.constant 0 : i32
    %dma_start3A_276 = tpu.memref_slice %arg3[%select_n3A_253, %select_n3A_269, %dma_start3A_275] : memref<16x2048x64xf32, #tpu.memory_space<hbm>> -> memref<1x128x64xf32, #tpu.memory_space<hbm>>
    %dma_start3A_277 = tpu.memref_squeeze %dma_start3A_276 : memref<1x128x64xf32, #tpu.memory_space<hbm>> -> memref<128x64xf32, #tpu.memory_space<hbm>>
    %dma_start3A_278 = arith.constant 0 : i32
    %dma_start3A_279 = arith.constant 0 : i32
    %dma_start3A_280 = tpu.memref_slice %arg7[%dma_start3A_270, %dma_start3A_278, %dma_start3A_279] : memref<2x128x64xf32, #tpu.memory_space<vmem>> -> memref<1x128x64xf32, #tpu.memory_space<vmem>>
    %dma_start3A_281 = tpu.memref_squeeze %dma_start3A_280 : memref<1x128x64xf32, #tpu.memory_space<vmem>> -> memref<128x64xf32, #tpu.memory_space<vmem>>
    %dma_start3A_282 = arith.constant 0 : i32
    %dma_start3A_283 = tpu.memref_slice %arg3[%select_n3A_253, %select_n3A_269, %dma_start3A_282] : memref<16x2048x64xf32, #tpu.memory_space<hbm>> -> memref<1x128x64xf32, #tpu.memory_space<hbm>>
    %dma_start3A_284 = tpu.memref_squeeze %dma_start3A_283 : memref<1x128x64xf32, #tpu.memory_space<hbm>> -> memref<128x64xf32, #tpu.memory_space<hbm>>
    tpu.enqueue_dma source(%dma_start3A_284 : memref<128x64xf32, #tpu.memory_space<hbm>>) target(%dma_start3A_281 : memref<128x64xf32, #tpu.memory_space<vmem>>) target_semaphore(%arg11 : memref<!tpu.dma_semaphore, #tpu.memory_space<semaphore_mem>>)
    %dma_wait3A_285 = arith.constant 0 : i32
    %dma_wait3A_286 = arith.constant 0 : i32
    %dma_wait3A_287 = arith.constant 0 : i32
    %dma_wait3A_288 = tpu.memref_slice %arg7[%dma_wait3A_285, %dma_wait3A_286, %dma_wait3A_287] : memref<2x128x64xf32, #tpu.memory_space<vmem>> -> memref<1x128x64xf32, #tpu.memory_space<vmem>>
    %dma_wait3A_289 = tpu.memref_squeeze %dma_wait3A_288 : memref<1x128x64xf32, #tpu.memory_space<vmem>> -> memref<128x64xf32, #tpu.memory_space<vmem>>
    %dma_wait3A_290 = arith.constant 0 : i32
    %dma_wait3A_291 = tpu.memref_slice %arg3[%select_n3A_179, %select_n3A_195, %dma_wait3A_290] : memref<16x2048x64xf32, #tpu.memory_space<hbm>> -> memref<1x128x64xf32, #tpu.memory_space<hbm>>
    %dma_wait3A_292 = tpu.memref_squeeze %dma_wait3A_291 : memref<1x128x64xf32, #tpu.memory_space<hbm>> -> memref<128x64xf32, #tpu.memory_space<hbm>>
    %dma_wait3A_293 = arith.constant 0 : i32
    %dma_wait3A_294 = arith.constant 0 : i32
    %dma_wait3A_295 = tpu.memref_slice %arg7[%dma_wait3A_285, %dma_wait3A_293, %dma_wait3A_294] : memref<2x128x64xf32, #tpu.memory_space<vmem>> -> memref<1x128x64xf32, #tpu.memory_space<vmem>>
    %dma_wait3A_296 = tpu.memref_squeeze %dma_wait3A_295 : memref<1x128x64xf32, #tpu.memory_space<vmem>> -> memref<128x64xf32, #tpu.memory_space<vmem>>
    %dma_wait3A_297 = arith.constant 0 : i32
    %dma_wait3A_298 = tpu.memref_slice %arg3[%select_n3A_179, %select_n3A_195, %dma_wait3A_297] : memref<16x2048x64xf32, #tpu.memory_space<hbm>> -> memref<1x128x64xf32, #tpu.memory_space<hbm>>
    %dma_wait3A_299 = tpu.memref_squeeze %dma_wait3A_298 : memref<1x128x64xf32, #tpu.memory_space<hbm>> -> memref<128x64xf32, #tpu.memory_space<hbm>>
    tpu.wait_dma2 semaphore(%arg10 : memref<!tpu.dma_semaphore, #tpu.memory_space<semaphore_mem>>) src(%dma_wait3A_299 : memref<128x64xf32, #tpu.memory_space<hbm>>) dst(%dma_wait3A_296 : memref<128x64xf32, #tpu.memory_space<vmem>>)
    %run_scoped3A_300 = arith.constant 0 : i32
    %run_scoped3A_301 = arith.constant 2 : i32
    "tpu.region"() ({
      %run_scoped3A_624 = tpu.sem_alloc : memref<!tpu.dma_semaphore, #tpu.memory_space<semaphore_mem>>
      %dma_start3A_625 = arith.constant 0 : i32
      %dma_start3A_626 = arith.constant 0 : i32
      %dma_start3A_627 = tpu.memref_slice %arg7[%run_scoped3A_300, %dma_start3A_625, %dma_start3A_626] : memref<2x128x64xf32, #tpu.memory_space<vmem>> -> memref<1x128x64xf32, #tpu.memory_space<vmem>>
      %dma_start3A_628 = tpu.memref_squeeze %dma_start3A_627 : memref<1x128x64xf32, #tpu.memory_space<vmem>> -> memref<128x64xf32, #tpu.memory_space<vmem>>
      %dma_start3A_629 = arith.constant 0 : i32
      %dma_start3A_630 = tpu.memref_slice %arg5[%run_scoped3A_301, %dma_start3A_629] : memref<8x128xi32, #tpu.memory_space<vmem>> -> memref<1x128xi32, #tpu.memory_space<vmem>>
      %dma_start3A_631 = tpu.memref_squeeze %dma_start3A_630 : memref<1x128xi32, #tpu.memory_space<vmem>> -> memref<128xi32, #tpu.memory_space<vmem>>
      %dma_start3A_632 = arith.constant 0 : i32
      %dma_start3A_633 = arith.constant 0 : i32
      %dma_start3A_634 = tpu.memref_slice %arg8[%dma_start3A_632, %dma_start3A_633] : memref<10752x64xf32, #tpu.memory_space<vmem_shared>> -> memref<10752x64xf32, #tpu.memory_space<vmem_shared>>
      tpu.enqueue_indirect_dma source(%dma_start3A_628 : memref<128x64xf32, #tpu.memory_space<vmem>>) target(%dma_start3A_634 : memref<10752x64xf32, #tpu.memory_space<vmem_shared>>) offsets(%dma_start3A_631 : memref<128xi32, #tpu.memory_space<vmem>>) semaphore(%run_scoped3A_624 : memref<!tpu.dma_semaphore, #tpu.memory_space<semaphore_mem>>) {add = true}
      %dma_wait3A_635 = arith.constant 0 : i32
      %dma_wait3A_636 = arith.constant 0 : i32
      %dma_wait3A_637 = tpu.memref_slice %arg7[%run_scoped3A_300, %dma_wait3A_635, %dma_wait3A_636] : memref<2x128x64xf32, #tpu.memory_space<vmem>> -> memref<1x128x64xf32, #tpu.memory_space<vmem>>
      %dma_wait3A_638 = tpu.memref_squeeze %dma_wait3A_637 : memref<1x128x64xf32, #tpu.memory_space<vmem>> -> memref<128x64xf32, #tpu.memory_space<vmem>>
      %dma_wait3A_639 = arith.constant 0 : i32
      %dma_wait3A_640 = tpu.memref_slice %arg5[%run_scoped3A_301, %dma_wait3A_639] : memref<8x128xi32, #tpu.memory_space<vmem>> -> memref<1x128xi32, #tpu.memory_space<vmem>>
      %dma_wait3A_641 = tpu.memref_squeeze %dma_wait3A_640 : memref<1x128xi32, #tpu.memory_space<vmem>> -> memref<128xi32, #tpu.memory_space<vmem>>
      %dma_wait3A_642 = arith.constant 0 : i32
      %dma_wait3A_643 = arith.constant 0 : i32
      %dma_wait3A_644 = tpu.memref_slice %arg8[%dma_wait3A_642, %dma_wait3A_643] : memref<10752x64xf32, #tpu.memory_space<vmem_shared>> -> memref<10752x64xf32, #tpu.memory_space<vmem_shared>>
      tpu.wait_indirect_dma semaphore(%run_scoped3A_624 : memref<!tpu.dma_semaphore, #tpu.memory_space<semaphore_mem>>) src(%dma_wait3A_638 : memref<128x64xf32, #tpu.memory_space<vmem>>) dst(%dma_wait3A_644 : memref<10752x64xf32, #tpu.memory_space<vmem_shared>>)
      tpu.yield
    }) : () -> ()
    %add3A_302 = arith.constant 512 : i32
    %add3A_303 = arith.addi %mul3A_4, %add3A_302 : i32
    %jit3A_304 = arith.constant 2048 : i32
    %div3A_305 = arith.divsi %add3A_303, %jit3A_304 : i32
    %sign3A_306 = arith.constant 0 : i32
    %sign3A_307 = arith.cmpi sgt, %add3A_303, %sign3A_306 : i32
    %sign3A_308 = arith.extui %sign3A_307 : i1 to i32
    %sign3A_309 = arith.constant 0 : i32
    %sign3A_310 = arith.cmpi slt, %add3A_303, %sign3A_309 : i32
    %sign3A_311 = arith.extui %sign3A_310 : i1 to i32
    %sign3A_312 = arith.subi %sign3A_308, %sign3A_311 : i32
    %sign3A_313 = arith.constant 0 : i32
    %sign3A_314 = arith.cmpi sgt, %jit3A_304, %sign3A_313 : i32
    %sign3A_315 = arith.extui %sign3A_314 : i1 to i32
    %sign3A_316 = arith.constant 0 : i32
    %sign3A_317 = arith.cmpi slt, %jit3A_304, %sign3A_316 : i32
    %sign3A_318 = arith.extui %sign3A_317 : i1 to i32
    %sign3A_319 = arith.subi %sign3A_315, %sign3A_318 : i32
    %ne3A_320 = arith.cmpi ne, %sign3A_312, %sign3A_319 : i32
    %rem3A_321 = arith.remsi %add3A_303, %jit3A_304 : i32
    %ne3A_322 = arith.constant 0 : i32
    %ne3A_323 = arith.cmpi ne, %rem3A_321, %ne3A_322 : i32
    %and3A_324 = arith.andi %ne3A_320, %ne3A_323 : i1
    %sub3A_325 = arith.constant 1 : i32
    %sub3A_326 = arith.subi %div3A_305, %sub3A_325 : i32
    %select_n3A_327 = arith.select %and3A_324, %sub3A_326, %div3A_305 : i32
    %jit3A_328 = arith.constant 2048 : i32
    %eq3A_329 = arith.constant 0 : i32
    %eq3A_330 = arith.cmpi eq, %jit3A_328, %eq3A_329 : i32
    %jit3A_331 = arith.constant 1 : i32
    %select_n3A_332 = arith.select %eq3A_330, %jit3A_331, %jit3A_328 : i32
    %rem3A_333 = arith.remsi %add3A_303, %select_n3A_332 : i32
    %ne3A_334 = arith.constant 0 : i32
    %ne3A_335 = arith.cmpi ne, %rem3A_333, %ne3A_334 : i32
    %lt3A_336 = arith.constant 0 : i32
    %lt3A_337 = arith.cmpi slt, %rem3A_333, %lt3A_336 : i32
    %lt3A_338 = arith.constant 0 : i32
    %lt3A_339 = arith.cmpi slt, %select_n3A_332, %lt3A_338 : i32
    %ne3A_340 = arith.xori %lt3A_337, %lt3A_339 : i1
    %and3A_341 = arith.andi %ne3A_340, %ne3A_335 : i1
    %add3A_342 = arith.addi %rem3A_333, %select_n3A_332 : i32
    %select_n3A_343 = arith.select %and3A_341, %add3A_342, %rem3A_333 : i32
    %dma_start3A_344 = arith.constant 0 : i32
    %dma_start3A_345 = arith.constant 0 : i32
    %dma_start3A_346 = arith.constant 0 : i32
    %dma_start3A_347 = tpu.memref_slice %arg7[%dma_start3A_344, %dma_start3A_345, %dma_start3A_346] : memref<2x128x64xf32, #tpu.memory_space<vmem>> -> memref<1x128x64xf32, #tpu.memory_space<vmem>>
    %dma_start3A_348 = tpu.memref_squeeze %dma_start3A_347 : memref<1x128x64xf32, #tpu.memory_space<vmem>> -> memref<128x64xf32, #tpu.memory_space<vmem>>
    %dma_start3A_349 = arith.constant 0 : i32
    %dma_start3A_350 = tpu.memref_slice %arg3[%select_n3A_327, %select_n3A_343, %dma_start3A_349] : memref<16x2048x64xf32, #tpu.memory_space<hbm>> -> memref<1x128x64xf32, #tpu.memory_space<hbm>>
    %dma_start3A_351 = tpu.memref_squeeze %dma_start3A_350 : memref<1x128x64xf32, #tpu.memory_space<hbm>> -> memref<128x64xf32, #tpu.memory_space<hbm>>
    %dma_start3A_352 = arith.constant 0 : i32
    %dma_start3A_353 = arith.constant 0 : i32
    %dma_start3A_354 = tpu.memref_slice %arg7[%dma_start3A_344, %dma_start3A_352, %dma_start3A_353] : memref<2x128x64xf32, #tpu.memory_space<vmem>> -> memref<1x128x64xf32, #tpu.memory_space<vmem>>
    %dma_start3A_355 = tpu.memref_squeeze %dma_start3A_354 : memref<1x128x64xf32, #tpu.memory_space<vmem>> -> memref<128x64xf32, #tpu.memory_space<vmem>>
    %dma_start3A_356 = arith.constant 0 : i32
    %dma_start3A_357 = tpu.memref_slice %arg3[%select_n3A_327, %select_n3A_343, %dma_start3A_356] : memref<16x2048x64xf32, #tpu.memory_space<hbm>> -> memref<1x128x64xf32, #tpu.memory_space<hbm>>
    %dma_start3A_358 = tpu.memref_squeeze %dma_start3A_357 : memref<1x128x64xf32, #tpu.memory_space<hbm>> -> memref<128x64xf32, #tpu.memory_space<hbm>>
    tpu.enqueue_dma source(%dma_start3A_358 : memref<128x64xf32, #tpu.memory_space<hbm>>) target(%dma_start3A_355 : memref<128x64xf32, #tpu.memory_space<vmem>>) target_semaphore(%arg10 : memref<!tpu.dma_semaphore, #tpu.memory_space<semaphore_mem>>)
    %dma_wait3A_359 = arith.constant 1 : i32
    %dma_wait3A_360 = arith.constant 0 : i32
    %dma_wait3A_361 = arith.constant 0 : i32
    %dma_wait3A_362 = tpu.memref_slice %arg7[%dma_wait3A_359, %dma_wait3A_360, %dma_wait3A_361] : memref<2x128x64xf32, #tpu.memory_space<vmem>> -> memref<1x128x64xf32, #tpu.memory_space<vmem>>
    %dma_wait3A_363 = tpu.memref_squeeze %dma_wait3A_362 : memref<1x128x64xf32, #tpu.memory_space<vmem>> -> memref<128x64xf32, #tpu.memory_space<vmem>>
    %dma_wait3A_364 = arith.constant 0 : i32
    %dma_wait3A_365 = tpu.memref_slice %arg3[%select_n3A_253, %select_n3A_269, %dma_wait3A_364] : memref<16x2048x64xf32, #tpu.memory_space<hbm>> -> memref<1x128x64xf32, #tpu.memory_space<hbm>>
    %dma_wait3A_366 = tpu.memref_squeeze %dma_wait3A_365 : memref<1x128x64xf32, #tpu.memory_space<hbm>> -> memref<128x64xf32, #tpu.memory_space<hbm>>
    %dma_wait3A_367 = arith.constant 0 : i32
    %dma_wait3A_368 = arith.constant 0 : i32
    %dma_wait3A_369 = tpu.memref_slice %arg7[%dma_wait3A_359, %dma_wait3A_367, %dma_wait3A_368] : memref<2x128x64xf32, #tpu.memory_space<vmem>> -> memref<1x128x64xf32, #tpu.memory_space<vmem>>
    %dma_wait3A_370 = tpu.memref_squeeze %dma_wait3A_369 : memref<1x128x64xf32, #tpu.memory_space<vmem>> -> memref<128x64xf32, #tpu.memory_space<vmem>>
    %dma_wait3A_371 = arith.constant 0 : i32
    %dma_wait3A_372 = tpu.memref_slice %arg3[%select_n3A_253, %select_n3A_269, %dma_wait3A_371] : memref<16x2048x64xf32, #tpu.memory_space<hbm>> -> memref<1x128x64xf32, #tpu.memory_space<hbm>>
    %dma_wait3A_373 = tpu.memref_squeeze %dma_wait3A_372 : memref<1x128x64xf32, #tpu.memory_space<hbm>> -> memref<128x64xf32, #tpu.memory_space<hbm>>
    tpu.wait_dma2 semaphore(%arg11 : memref<!tpu.dma_semaphore, #tpu.memory_space<semaphore_mem>>) src(%dma_wait3A_373 : memref<128x64xf32, #tpu.memory_space<hbm>>) dst(%dma_wait3A_370 : memref<128x64xf32, #tpu.memory_space<vmem>>)
    %run_scoped3A_374 = arith.constant 1 : i32
    %run_scoped3A_375 = arith.constant 3 : i32
    "tpu.region"() ({
      %run_scoped3A_624 = tpu.sem_alloc : memref<!tpu.dma_semaphore, #tpu.memory_space<semaphore_mem>>
      %dma_start3A_625 = arith.constant 0 : i32
      %dma_start3A_626 = arith.constant 0 : i32
      %dma_start3A_627 = tpu.memref_slice %arg7[%run_scoped3A_374, %dma_start3A_625, %dma_start3A_626] : memref<2x128x64xf32, #tpu.memory_space<vmem>> -> memref<1x128x64xf32, #tpu.memory_space<vmem>>
      %dma_start3A_628 = tpu.memref_squeeze %dma_start3A_627 : memref<1x128x64xf32, #tpu.memory_space<vmem>> -> memref<128x64xf32, #tpu.memory_space<vmem>>
      %dma_start3A_629 = arith.constant 0 : i32
      %dma_start3A_630 = tpu.memref_slice %arg5[%run_scoped3A_375, %dma_start3A_629] : memref<8x128xi32, #tpu.memory_space<vmem>> -> memref<1x128xi32, #tpu.memory_space<vmem>>
      %dma_start3A_631 = tpu.memref_squeeze %dma_start3A_630 : memref<1x128xi32, #tpu.memory_space<vmem>> -> memref<128xi32, #tpu.memory_space<vmem>>
      %dma_start3A_632 = arith.constant 0 : i32
      %dma_start3A_633 = arith.constant 0 : i32
      %dma_start3A_634 = tpu.memref_slice %arg8[%dma_start3A_632, %dma_start3A_633] : memref<10752x64xf32, #tpu.memory_space<vmem_shared>> -> memref<10752x64xf32, #tpu.memory_space<vmem_shared>>
      tpu.enqueue_indirect_dma source(%dma_start3A_628 : memref<128x64xf32, #tpu.memory_space<vmem>>) target(%dma_start3A_634 : memref<10752x64xf32, #tpu.memory_space<vmem_shared>>) offsets(%dma_start3A_631 : memref<128xi32, #tpu.memory_space<vmem>>) semaphore(%run_scoped3A_624 : memref<!tpu.dma_semaphore, #tpu.memory_space<semaphore_mem>>) {add = true}
      %dma_wait3A_635 = arith.constant 0 : i32
      %dma_wait3A_636 = arith.constant 0 : i32
      %dma_wait3A_637 = tpu.memref_slice %arg7[%run_scoped3A_374, %dma_wait3A_635, %dma_wait3A_636] : memref<2x128x64xf32, #tpu.memory_space<vmem>> -> memref<1x128x64xf32, #tpu.memory_space<vmem>>
      %dma_wait3A_638 = tpu.memref_squeeze %dma_wait3A_637 : memref<1x128x64xf32, #tpu.memory_space<vmem>> -> memref<128x64xf32, #tpu.memory_space<vmem>>
      %dma_wait3A_639 = arith.constant 0 : i32
      %dma_wait3A_640 = tpu.memref_slice %arg5[%run_scoped3A_375, %dma_wait3A_639] : memref<8x128xi32, #tpu.memory_space<vmem>> -> memref<1x128xi32, #tpu.memory_space<vmem>>
      %dma_wait3A_641 = tpu.memref_squeeze %dma_wait3A_640 : memref<1x128xi32, #tpu.memory_space<vmem>> -> memref<128xi32, #tpu.memory_space<vmem>>
      %dma_wait3A_642 = arith.constant 0 : i32
      %dma_wait3A_643 = arith.constant 0 : i32
      %dma_wait3A_644 = tpu.memref_slice %arg8[%dma_wait3A_642, %dma_wait3A_643] : memref<10752x64xf32, #tpu.memory_space<vmem_shared>> -> memref<10752x64xf32, #tpu.memory_space<vmem_shared>>
      tpu.wait_indirect_dma semaphore(%run_scoped3A_624 : memref<!tpu.dma_semaphore, #tpu.memory_space<semaphore_mem>>) src(%dma_wait3A_638 : memref<128x64xf32, #tpu.memory_space<vmem>>) dst(%dma_wait3A_644 : memref<10752x64xf32, #tpu.memory_space<vmem_shared>>)
      tpu.yield
    }) : () -> ()
    %add3A_376 = arith.constant 640 : i32
    %add3A_377 = arith.addi %mul3A_4, %add3A_376 : i32
    %jit3A_378 = arith.constant 2048 : i32
    %div3A_379 = arith.divsi %add3A_377, %jit3A_378 : i32
    %sign3A_380 = arith.constant 0 : i32
    %sign3A_381 = arith.cmpi sgt, %add3A_377, %sign3A_380 : i32
    %sign3A_382 = arith.extui %sign3A_381 : i1 to i32
    %sign3A_383 = arith.constant 0 : i32
    %sign3A_384 = arith.cmpi slt, %add3A_377, %sign3A_383 : i32
    %sign3A_385 = arith.extui %sign3A_384 : i1 to i32
    %sign3A_386 = arith.subi %sign3A_382, %sign3A_385 : i32
    %sign3A_387 = arith.constant 0 : i32
    %sign3A_388 = arith.cmpi sgt, %jit3A_378, %sign3A_387 : i32
    %sign3A_389 = arith.extui %sign3A_388 : i1 to i32
    %sign3A_390 = arith.constant 0 : i32
    %sign3A_391 = arith.cmpi slt, %jit3A_378, %sign3A_390 : i32
    %sign3A_392 = arith.extui %sign3A_391 : i1 to i32
    %sign3A_393 = arith.subi %sign3A_389, %sign3A_392 : i32
    %ne3A_394 = arith.cmpi ne, %sign3A_386, %sign3A_393 : i32
    %rem3A_395 = arith.remsi %add3A_377, %jit3A_378 : i32
    %ne3A_396 = arith.constant 0 : i32
    %ne3A_397 = arith.cmpi ne, %rem3A_395, %ne3A_396 : i32
    %and3A_398 = arith.andi %ne3A_394, %ne3A_397 : i1
    %sub3A_399 = arith.constant 1 : i32
    %sub3A_400 = arith.subi %div3A_379, %sub3A_399 : i32
    %select_n3A_401 = arith.select %and3A_398, %sub3A_400, %div3A_379 : i32
    %jit3A_402 = arith.constant 2048 : i32
    %eq3A_403 = arith.constant 0 : i32
    %eq3A_404 = arith.cmpi eq, %jit3A_402, %eq3A_403 : i32
    %jit3A_405 = arith.constant 1 : i32
    %select_n3A_406 = arith.select %eq3A_404, %jit3A_405, %jit3A_402 : i32
    %rem3A_407 = arith.remsi %add3A_377, %select_n3A_406 : i32
    %ne3A_408 = arith.constant 0 : i32
    %ne3A_409 = arith.cmpi ne, %rem3A_407, %ne3A_408 : i32
    %lt3A_410 = arith.constant 0 : i32
    %lt3A_411 = arith.cmpi slt, %rem3A_407, %lt3A_410 : i32
    %lt3A_412 = arith.constant 0 : i32
    %lt3A_413 = arith.cmpi slt, %select_n3A_406, %lt3A_412 : i32
    %ne3A_414 = arith.xori %lt3A_411, %lt3A_413 : i1
    %and3A_415 = arith.andi %ne3A_414, %ne3A_409 : i1
    %add3A_416 = arith.addi %rem3A_407, %select_n3A_406 : i32
    %select_n3A_417 = arith.select %and3A_415, %add3A_416, %rem3A_407 : i32
    %dma_start3A_418 = arith.constant 1 : i32
    %dma_start3A_419 = arith.constant 0 : i32
    %dma_start3A_420 = arith.constant 0 : i32
    %dma_start3A_421 = tpu.memref_slice %arg7[%dma_start3A_418, %dma_start3A_419, %dma_start3A_420] : memref<2x128x64xf32, #tpu.memory_space<vmem>> -> memref<1x128x64xf32, #tpu.memory_space<vmem>>
    %dma_start3A_422 = tpu.memref_squeeze %dma_start3A_421 : memref<1x128x64xf32, #tpu.memory_space<vmem>> -> memref<128x64xf32, #tpu.memory_space<vmem>>
    %dma_start3A_423 = arith.constant 0 : i32
    %dma_start3A_424 = tpu.memref_slice %arg3[%select_n3A_401, %select_n3A_417, %dma_start3A_423] : memref<16x2048x64xf32, #tpu.memory_space<hbm>> -> memref<1x128x64xf32, #tpu.memory_space<hbm>>
    %dma_start3A_425 = tpu.memref_squeeze %dma_start3A_424 : memref<1x128x64xf32, #tpu.memory_space<hbm>> -> memref<128x64xf32, #tpu.memory_space<hbm>>
    %dma_start3A_426 = arith.constant 0 : i32
    %dma_start3A_427 = arith.constant 0 : i32
    %dma_start3A_428 = tpu.memref_slice %arg7[%dma_start3A_418, %dma_start3A_426, %dma_start3A_427] : memref<2x128x64xf32, #tpu.memory_space<vmem>> -> memref<1x128x64xf32, #tpu.memory_space<vmem>>
    %dma_start3A_429 = tpu.memref_squeeze %dma_start3A_428 : memref<1x128x64xf32, #tpu.memory_space<vmem>> -> memref<128x64xf32, #tpu.memory_space<vmem>>
    %dma_start3A_430 = arith.constant 0 : i32
    %dma_start3A_431 = tpu.memref_slice %arg3[%select_n3A_401, %select_n3A_417, %dma_start3A_430] : memref<16x2048x64xf32, #tpu.memory_space<hbm>> -> memref<1x128x64xf32, #tpu.memory_space<hbm>>
    %dma_start3A_432 = tpu.memref_squeeze %dma_start3A_431 : memref<1x128x64xf32, #tpu.memory_space<hbm>> -> memref<128x64xf32, #tpu.memory_space<hbm>>
    tpu.enqueue_dma source(%dma_start3A_432 : memref<128x64xf32, #tpu.memory_space<hbm>>) target(%dma_start3A_429 : memref<128x64xf32, #tpu.memory_space<vmem>>) target_semaphore(%arg11 : memref<!tpu.dma_semaphore, #tpu.memory_space<semaphore_mem>>)
    %dma_wait3A_433 = arith.constant 0 : i32
    %dma_wait3A_434 = arith.constant 0 : i32
    %dma_wait3A_435 = arith.constant 0 : i32
    %dma_wait3A_436 = tpu.memref_slice %arg7[%dma_wait3A_433, %dma_wait3A_434, %dma_wait3A_435] : memref<2x128x64xf32, #tpu.memory_space<vmem>> -> memref<1x128x64xf32, #tpu.memory_space<vmem>>
    %dma_wait3A_437 = tpu.memref_squeeze %dma_wait3A_436 : memref<1x128x64xf32, #tpu.memory_space<vmem>> -> memref<128x64xf32, #tpu.memory_space<vmem>>
    %dma_wait3A_438 = arith.constant 0 : i32
    %dma_wait3A_439 = tpu.memref_slice %arg3[%select_n3A_327, %select_n3A_343, %dma_wait3A_438] : memref<16x2048x64xf32, #tpu.memory_space<hbm>> -> memref<1x128x64xf32, #tpu.memory_space<hbm>>
    %dma_wait3A_440 = tpu.memref_squeeze %dma_wait3A_439 : memref<1x128x64xf32, #tpu.memory_space<hbm>> -> memref<128x64xf32, #tpu.memory_space<hbm>>
    %dma_wait3A_441 = arith.constant 0 : i32
    %dma_wait3A_442 = arith.constant 0 : i32
    %dma_wait3A_443 = tpu.memref_slice %arg7[%dma_wait3A_433, %dma_wait3A_441, %dma_wait3A_442] : memref<2x128x64xf32, #tpu.memory_space<vmem>> -> memref<1x128x64xf32, #tpu.memory_space<vmem>>
    %dma_wait3A_444 = tpu.memref_squeeze %dma_wait3A_443 : memref<1x128x64xf32, #tpu.memory_space<vmem>> -> memref<128x64xf32, #tpu.memory_space<vmem>>
    %dma_wait3A_445 = arith.constant 0 : i32
    %dma_wait3A_446 = tpu.memref_slice %arg3[%select_n3A_327, %select_n3A_343, %dma_wait3A_445] : memref<16x2048x64xf32, #tpu.memory_space<hbm>> -> memref<1x128x64xf32, #tpu.memory_space<hbm>>
    %dma_wait3A_447 = tpu.memref_squeeze %dma_wait3A_446 : memref<1x128x64xf32, #tpu.memory_space<hbm>> -> memref<128x64xf32, #tpu.memory_space<hbm>>
    tpu.wait_dma2 semaphore(%arg10 : memref<!tpu.dma_semaphore, #tpu.memory_space<semaphore_mem>>) src(%dma_wait3A_447 : memref<128x64xf32, #tpu.memory_space<hbm>>) dst(%dma_wait3A_444 : memref<128x64xf32, #tpu.memory_space<vmem>>)
    %run_scoped3A_448 = arith.constant 0 : i32
    %run_scoped3A_449 = arith.constant 4 : i32
    "tpu.region"() ({
      %run_scoped3A_624 = tpu.sem_alloc : memref<!tpu.dma_semaphore, #tpu.memory_space<semaphore_mem>>
      %dma_start3A_625 = arith.constant 0 : i32
      %dma_start3A_626 = arith.constant 0 : i32
      %dma_start3A_627 = tpu.memref_slice %arg7[%run_scoped3A_448, %dma_start3A_625, %dma_start3A_626] : memref<2x128x64xf32, #tpu.memory_space<vmem>> -> memref<1x128x64xf32, #tpu.memory_space<vmem>>
      %dma_start3A_628 = tpu.memref_squeeze %dma_start3A_627 : memref<1x128x64xf32, #tpu.memory_space<vmem>> -> memref<128x64xf32, #tpu.memory_space<vmem>>
      %dma_start3A_629 = arith.constant 0 : i32
      %dma_start3A_630 = tpu.memref_slice %arg5[%run_scoped3A_449, %dma_start3A_629] : memref<8x128xi32, #tpu.memory_space<vmem>> -> memref<1x128xi32, #tpu.memory_space<vmem>>
      %dma_start3A_631 = tpu.memref_squeeze %dma_start3A_630 : memref<1x128xi32, #tpu.memory_space<vmem>> -> memref<128xi32, #tpu.memory_space<vmem>>
      %dma_start3A_632 = arith.constant 0 : i32
      %dma_start3A_633 = arith.constant 0 : i32
      %dma_start3A_634 = tpu.memref_slice %arg8[%dma_start3A_632, %dma_start3A_633] : memref<10752x64xf32, #tpu.memory_space<vmem_shared>> -> memref<10752x64xf32, #tpu.memory_space<vmem_shared>>
      tpu.enqueue_indirect_dma source(%dma_start3A_628 : memref<128x64xf32, #tpu.memory_space<vmem>>) target(%dma_start3A_634 : memref<10752x64xf32, #tpu.memory_space<vmem_shared>>) offsets(%dma_start3A_631 : memref<128xi32, #tpu.memory_space<vmem>>) semaphore(%run_scoped3A_624 : memref<!tpu.dma_semaphore, #tpu.memory_space<semaphore_mem>>) {add = true}
      %dma_wait3A_635 = arith.constant 0 : i32
      %dma_wait3A_636 = arith.constant 0 : i32
      %dma_wait3A_637 = tpu.memref_slice %arg7[%run_scoped3A_448, %dma_wait3A_635, %dma_wait3A_636] : memref<2x128x64xf32, #tpu.memory_space<vmem>> -> memref<1x128x64xf32, #tpu.memory_space<vmem>>
      %dma_wait3A_638 = tpu.memref_squeeze %dma_wait3A_637 : memref<1x128x64xf32, #tpu.memory_space<vmem>> -> memref<128x64xf32, #tpu.memory_space<vmem>>
      %dma_wait3A_639 = arith.constant 0 : i32
      %dma_wait3A_640 = tpu.memref_slice %arg5[%run_scoped3A_449, %dma_wait3A_639] : memref<8x128xi32, #tpu.memory_space<vmem>> -> memref<1x128xi32, #tpu.memory_space<vmem>>
      %dma_wait3A_641 = tpu.memref_squeeze %dma_wait3A_640 : memref<1x128xi32, #tpu.memory_space<vmem>> -> memref<128xi32, #tpu.memory_space<vmem>>
      %dma_wait3A_642 = arith.constant 0 : i32
      %dma_wait3A_643 = arith.constant 0 : i32
      %dma_wait3A_644 = tpu.memref_slice %arg8[%dma_wait3A_642, %dma_wait3A_643] : memref<10752x64xf32, #tpu.memory_space<vmem_shared>> -> memref<10752x64xf32, #tpu.memory_space<vmem_shared>>
      tpu.wait_indirect_dma semaphore(%run_scoped3A_624 : memref<!tpu.dma_semaphore, #tpu.memory_space<semaphore_mem>>) src(%dma_wait3A_638 : memref<128x64xf32, #tpu.memory_space<vmem>>) dst(%dma_wait3A_644 : memref<10752x64xf32, #tpu.memory_space<vmem_shared>>)
      tpu.yield
    }) : () -> ()
    %add3A_450 = arith.constant 768 : i32
    %add3A_451 = arith.addi %mul3A_4, %add3A_450 : i32
    %jit3A_452 = arith.constant 2048 : i32
    %div3A_453 = arith.divsi %add3A_451, %jit3A_452 : i32
    %sign3A_454 = arith.constant 0 : i32
    %sign3A_455 = arith.cmpi sgt, %add3A_451, %sign3A_454 : i32
    %sign3A_456 = arith.extui %sign3A_455 : i1 to i32
    %sign3A_457 = arith.constant 0 : i32
    %sign3A_458 = arith.cmpi slt, %add3A_451, %sign3A_457 : i32
    %sign3A_459 = arith.extui %sign3A_458 : i1 to i32
    %sign3A_460 = arith.subi %sign3A_456, %sign3A_459 : i32
    %sign3A_461 = arith.constant 0 : i32
    %sign3A_462 = arith.cmpi sgt, %jit3A_452, %sign3A_461 : i32
    %sign3A_463 = arith.extui %sign3A_462 : i1 to i32
    %sign3A_464 = arith.constant 0 : i32
    %sign3A_465 = arith.cmpi slt, %jit3A_452, %sign3A_464 : i32
    %sign3A_466 = arith.extui %sign3A_465 : i1 to i32
    %sign3A_467 = arith.subi %sign3A_463, %sign3A_466 : i32
    %ne3A_468 = arith.cmpi ne, %sign3A_460, %sign3A_467 : i32
    %rem3A_469 = arith.remsi %add3A_451, %jit3A_452 : i32
    %ne3A_470 = arith.constant 0 : i32
    %ne3A_471 = arith.cmpi ne, %rem3A_469, %ne3A_470 : i32
    %and3A_472 = arith.andi %ne3A_468, %ne3A_471 : i1
    %sub3A_473 = arith.constant 1 : i32
    %sub3A_474 = arith.subi %div3A_453, %sub3A_473 : i32
    %select_n3A_475 = arith.select %and3A_472, %sub3A_474, %div3A_453 : i32
    %jit3A_476 = arith.constant 2048 : i32
    %eq3A_477 = arith.constant 0 : i32
    %eq3A_478 = arith.cmpi eq, %jit3A_476, %eq3A_477 : i32
    %jit3A_479 = arith.constant 1 : i32
    %select_n3A_480 = arith.select %eq3A_478, %jit3A_479, %jit3A_476 : i32
    %rem3A_481 = arith.remsi %add3A_451, %select_n3A_480 : i32
    %ne3A_482 = arith.constant 0 : i32
    %ne3A_483 = arith.cmpi ne, %rem3A_481, %ne3A_482 : i32
    %lt3A_484 = arith.constant 0 : i32
    %lt3A_485 = arith.cmpi slt, %rem3A_481, %lt3A_484 : i32
    %lt3A_486 = arith.constant 0 : i32
    %lt3A_487 = arith.cmpi slt, %select_n3A_480, %lt3A_486 : i32
    %ne3A_488 = arith.xori %lt3A_485, %lt3A_487 : i1
    %and3A_489 = arith.andi %ne3A_488, %ne3A_483 : i1
    %add3A_490 = arith.addi %rem3A_481, %select_n3A_480 : i32
    %select_n3A_491 = arith.select %and3A_489, %add3A_490, %rem3A_481 : i32
    %dma_start3A_492 = arith.constant 0 : i32
    %dma_start3A_493 = arith.constant 0 : i32
    %dma_start3A_494 = arith.constant 0 : i32
    %dma_start3A_495 = tpu.memref_slice %arg7[%dma_start3A_492, %dma_start3A_493, %dma_start3A_494] : memref<2x128x64xf32, #tpu.memory_space<vmem>> -> memref<1x128x64xf32, #tpu.memory_space<vmem>>
    %dma_start3A_496 = tpu.memref_squeeze %dma_start3A_495 : memref<1x128x64xf32, #tpu.memory_space<vmem>> -> memref<128x64xf32, #tpu.memory_space<vmem>>
    %dma_start3A_497 = arith.constant 0 : i32
    %dma_start3A_498 = tpu.memref_slice %arg3[%select_n3A_475, %select_n3A_491, %dma_start3A_497] : memref<16x2048x64xf32, #tpu.memory_space<hbm>> -> memref<1x128x64xf32, #tpu.memory_space<hbm>>
    %dma_start3A_499 = tpu.memref_squeeze %dma_start3A_498 : memref<1x128x64xf32, #tpu.memory_space<hbm>> -> memref<128x64xf32, #tpu.memory_space<hbm>>
    %dma_start3A_500 = arith.constant 0 : i32
    %dma_start3A_501 = arith.constant 0 : i32
    %dma_start3A_502 = tpu.memref_slice %arg7[%dma_start3A_492, %dma_start3A_500, %dma_start3A_501] : memref<2x128x64xf32, #tpu.memory_space<vmem>> -> memref<1x128x64xf32, #tpu.memory_space<vmem>>
    %dma_start3A_503 = tpu.memref_squeeze %dma_start3A_502 : memref<1x128x64xf32, #tpu.memory_space<vmem>> -> memref<128x64xf32, #tpu.memory_space<vmem>>
    %dma_start3A_504 = arith.constant 0 : i32
    %dma_start3A_505 = tpu.memref_slice %arg3[%select_n3A_475, %select_n3A_491, %dma_start3A_504] : memref<16x2048x64xf32, #tpu.memory_space<hbm>> -> memref<1x128x64xf32, #tpu.memory_space<hbm>>
    %dma_start3A_506 = tpu.memref_squeeze %dma_start3A_505 : memref<1x128x64xf32, #tpu.memory_space<hbm>> -> memref<128x64xf32, #tpu.memory_space<hbm>>
    tpu.enqueue_dma source(%dma_start3A_506 : memref<128x64xf32, #tpu.memory_space<hbm>>) target(%dma_start3A_503 : memref<128x64xf32, #tpu.memory_space<vmem>>) target_semaphore(%arg10 : memref<!tpu.dma_semaphore, #tpu.memory_space<semaphore_mem>>)
    %dma_wait3A_507 = arith.constant 1 : i32
    %dma_wait3A_508 = arith.constant 0 : i32
    %dma_wait3A_509 = arith.constant 0 : i32
    %dma_wait3A_510 = tpu.memref_slice %arg7[%dma_wait3A_507, %dma_wait3A_508, %dma_wait3A_509] : memref<2x128x64xf32, #tpu.memory_space<vmem>> -> memref<1x128x64xf32, #tpu.memory_space<vmem>>
    %dma_wait3A_511 = tpu.memref_squeeze %dma_wait3A_510 : memref<1x128x64xf32, #tpu.memory_space<vmem>> -> memref<128x64xf32, #tpu.memory_space<vmem>>
    %dma_wait3A_512 = arith.constant 0 : i32
    %dma_wait3A_513 = tpu.memref_slice %arg3[%select_n3A_401, %select_n3A_417, %dma_wait3A_512] : memref<16x2048x64xf32, #tpu.memory_space<hbm>> -> memref<1x128x64xf32, #tpu.memory_space<hbm>>
    %dma_wait3A_514 = tpu.memref_squeeze %dma_wait3A_513 : memref<1x128x64xf32, #tpu.memory_space<hbm>> -> memref<128x64xf32, #tpu.memory_space<hbm>>
    %dma_wait3A_515 = arith.constant 0 : i32
    %dma_wait3A_516 = arith.constant 0 : i32
    %dma_wait3A_517 = tpu.memref_slice %arg7[%dma_wait3A_507, %dma_wait3A_515, %dma_wait3A_516] : memref<2x128x64xf32, #tpu.memory_space<vmem>> -> memref<1x128x64xf32, #tpu.memory_space<vmem>>
    %dma_wait3A_518 = tpu.memref_squeeze %dma_wait3A_517 : memref<1x128x64xf32, #tpu.memory_space<vmem>> -> memref<128x64xf32, #tpu.memory_space<vmem>>
    %dma_wait3A_519 = arith.constant 0 : i32
    %dma_wait3A_520 = tpu.memref_slice %arg3[%select_n3A_401, %select_n3A_417, %dma_wait3A_519] : memref<16x2048x64xf32, #tpu.memory_space<hbm>> -> memref<1x128x64xf32, #tpu.memory_space<hbm>>
    %dma_wait3A_521 = tpu.memref_squeeze %dma_wait3A_520 : memref<1x128x64xf32, #tpu.memory_space<hbm>> -> memref<128x64xf32, #tpu.memory_space<hbm>>
    tpu.wait_dma2 semaphore(%arg11 : memref<!tpu.dma_semaphore, #tpu.memory_space<semaphore_mem>>) src(%dma_wait3A_521 : memref<128x64xf32, #tpu.memory_space<hbm>>) dst(%dma_wait3A_518 : memref<128x64xf32, #tpu.memory_space<vmem>>)
    %run_scoped3A_522 = arith.constant 1 : i32
    %run_scoped3A_523 = arith.constant 5 : i32
    "tpu.region"() ({
      %run_scoped3A_624 = tpu.sem_alloc : memref<!tpu.dma_semaphore, #tpu.memory_space<semaphore_mem>>
      %dma_start3A_625 = arith.constant 0 : i32
      %dma_start3A_626 = arith.constant 0 : i32
      %dma_start3A_627 = tpu.memref_slice %arg7[%run_scoped3A_522, %dma_start3A_625, %dma_start3A_626] : memref<2x128x64xf32, #tpu.memory_space<vmem>> -> memref<1x128x64xf32, #tpu.memory_space<vmem>>
      %dma_start3A_628 = tpu.memref_squeeze %dma_start3A_627 : memref<1x128x64xf32, #tpu.memory_space<vmem>> -> memref<128x64xf32, #tpu.memory_space<vmem>>
      %dma_start3A_629 = arith.constant 0 : i32
      %dma_start3A_630 = tpu.memref_slice %arg5[%run_scoped3A_523, %dma_start3A_629] : memref<8x128xi32, #tpu.memory_space<vmem>> -> memref<1x128xi32, #tpu.memory_space<vmem>>
      %dma_start3A_631 = tpu.memref_squeeze %dma_start3A_630 : memref<1x128xi32, #tpu.memory_space<vmem>> -> memref<128xi32, #tpu.memory_space<vmem>>
      %dma_start3A_632 = arith.constant 0 : i32
      %dma_start3A_633 = arith.constant 0 : i32
      %dma_start3A_634 = tpu.memref_slice %arg8[%dma_start3A_632, %dma_start3A_633] : memref<10752x64xf32, #tpu.memory_space<vmem_shared>> -> memref<10752x64xf32, #tpu.memory_space<vmem_shared>>
      tpu.enqueue_indirect_dma source(%dma_start3A_628 : memref<128x64xf32, #tpu.memory_space<vmem>>) target(%dma_start3A_634 : memref<10752x64xf32, #tpu.memory_space<vmem_shared>>) offsets(%dma_start3A_631 : memref<128xi32, #tpu.memory_space<vmem>>) semaphore(%run_scoped3A_624 : memref<!tpu.dma_semaphore, #tpu.memory_space<semaphore_mem>>) {add = true}
      %dma_wait3A_635 = arith.constant 0 : i32
      %dma_wait3A_636 = arith.constant 0 : i32
      %dma_wait3A_637 = tpu.memref_slice %arg7[%run_scoped3A_522, %dma_wait3A_635, %dma_wait3A_636] : memref<2x128x64xf32, #tpu.memory_space<vmem>> -> memref<1x128x64xf32, #tpu.memory_space<vmem>>
      %dma_wait3A_638 = tpu.memref_squeeze %dma_wait3A_637 : memref<1x128x64xf32, #tpu.memory_space<vmem>> -> memref<128x64xf32, #tpu.memory_space<vmem>>
      %dma_wait3A_639 = arith.constant 0 : i32
      %dma_wait3A_640 = tpu.memref_slice %arg5[%run_scoped3A_523, %dma_wait3A_639] : memref<8x128xi32, #tpu.memory_space<vmem>> -> memref<1x128xi32, #tpu.memory_space<vmem>>
      %dma_wait3A_641 = tpu.memref_squeeze %dma_wait3A_640 : memref<1x128xi32, #tpu.memory_space<vmem>> -> memref<128xi32, #tpu.memory_space<vmem>>
      %dma_wait3A_642 = arith.constant 0 : i32
      %dma_wait3A_643 = arith.constant 0 : i32
      %dma_wait3A_644 = tpu.memref_slice %arg8[%dma_wait3A_642, %dma_wait3A_643] : memref<10752x64xf32, #tpu.memory_space<vmem_shared>> -> memref<10752x64xf32, #tpu.memory_space<vmem_shared>>
      tpu.wait_indirect_dma semaphore(%run_scoped3A_624 : memref<!tpu.dma_semaphore, #tpu.memory_space<semaphore_mem>>) src(%dma_wait3A_638 : memref<128x64xf32, #tpu.memory_space<vmem>>) dst(%dma_wait3A_644 : memref<10752x64xf32, #tpu.memory_space<vmem_shared>>)
      tpu.yield
    }) : () -> ()
    %add3A_524 = arith.constant 896 : i32
    %add3A_525 = arith.addi %mul3A_4, %add3A_524 : i32
    %jit3A_526 = arith.constant 2048 : i32
    %div3A_527 = arith.divsi %add3A_525, %jit3A_526 : i32
    %sign3A_528 = arith.constant 0 : i32
    %sign3A_529 = arith.cmpi sgt, %add3A_525, %sign3A_528 : i32
    %sign3A_530 = arith.extui %sign3A_529 : i1 to i32
    %sign3A_531 = arith.constant 0 : i32
    %sign3A_532 = arith.cmpi slt, %add3A_525, %sign3A_531 : i32
    %sign3A_533 = arith.extui %sign3A_532 : i1 to i32
    %sign3A_534 = arith.subi %sign3A_530, %sign3A_533 : i32
    %sign3A_535 = arith.constant 0 : i32
    %sign3A_536 = arith.cmpi sgt, %jit3A_526, %sign3A_535 : i32
    %sign3A_537 = arith.extui %sign3A_536 : i1 to i32
    %sign3A_538 = arith.constant 0 : i32
    %sign3A_539 = arith.cmpi slt, %jit3A_526, %sign3A_538 : i32
    %sign3A_540 = arith.extui %sign3A_539 : i1 to i32
    %sign3A_541 = arith.subi %sign3A_537, %sign3A_540 : i32
    %ne3A_542 = arith.cmpi ne, %sign3A_534, %sign3A_541 : i32
    %rem3A_543 = arith.remsi %add3A_525, %jit3A_526 : i32
    %ne3A_544 = arith.constant 0 : i32
    %ne3A_545 = arith.cmpi ne, %rem3A_543, %ne3A_544 : i32
    %and3A_546 = arith.andi %ne3A_542, %ne3A_545 : i1
    %sub3A_547 = arith.constant 1 : i32
    %sub3A_548 = arith.subi %div3A_527, %sub3A_547 : i32
    %select_n3A_549 = arith.select %and3A_546, %sub3A_548, %div3A_527 : i32
    %jit3A_550 = arith.constant 2048 : i32
    %eq3A_551 = arith.constant 0 : i32
    %eq3A_552 = arith.cmpi eq, %jit3A_550, %eq3A_551 : i32
    %jit3A_553 = arith.constant 1 : i32
    %select_n3A_554 = arith.select %eq3A_552, %jit3A_553, %jit3A_550 : i32
    %rem3A_555 = arith.remsi %add3A_525, %select_n3A_554 : i32
    %ne3A_556 = arith.constant 0 : i32
    %ne3A_557 = arith.cmpi ne, %rem3A_555, %ne3A_556 : i32
    %lt3A_558 = arith.constant 0 : i32
    %lt3A_559 = arith.cmpi slt, %rem3A_555, %lt3A_558 : i32
    %lt3A_560 = arith.constant 0 : i32
    %lt3A_561 = arith.cmpi slt, %select_n3A_554, %lt3A_560 : i32
    %ne3A_562 = arith.xori %lt3A_559, %lt3A_561 : i1
    %and3A_563 = arith.andi %ne3A_562, %ne3A_557 : i1
    %add3A_564 = arith.addi %rem3A_555, %select_n3A_554 : i32
    %select_n3A_565 = arith.select %and3A_563, %add3A_564, %rem3A_555 : i32
    %dma_start3A_566 = arith.constant 1 : i32
    %dma_start3A_567 = arith.constant 0 : i32
    %dma_start3A_568 = arith.constant 0 : i32
    %dma_start3A_569 = tpu.memref_slice %arg7[%dma_start3A_566, %dma_start3A_567, %dma_start3A_568] : memref<2x128x64xf32, #tpu.memory_space<vmem>> -> memref<1x128x64xf32, #tpu.memory_space<vmem>>
    %dma_start3A_570 = tpu.memref_squeeze %dma_start3A_569 : memref<1x128x64xf32, #tpu.memory_space<vmem>> -> memref<128x64xf32, #tpu.memory_space<vmem>>
    %dma_start3A_571 = arith.constant 0 : i32
    %dma_start3A_572 = tpu.memref_slice %arg3[%select_n3A_549, %select_n3A_565, %dma_start3A_571] : memref<16x2048x64xf32, #tpu.memory_space<hbm>> -> memref<1x128x64xf32, #tpu.memory_space<hbm>>
    %dma_start3A_573 = tpu.memref_squeeze %dma_start3A_572 : memref<1x128x64xf32, #tpu.memory_space<hbm>> -> memref<128x64xf32, #tpu.memory_space<hbm>>
    %dma_start3A_574 = arith.constant 0 : i32
    %dma_start3A_575 = arith.constant 0 : i32
    %dma_start3A_576 = tpu.memref_slice %arg7[%dma_start3A_566, %dma_start3A_574, %dma_start3A_575] : memref<2x128x64xf32, #tpu.memory_space<vmem>> -> memref<1x128x64xf32, #tpu.memory_space<vmem>>
    %dma_start3A_577 = tpu.memref_squeeze %dma_start3A_576 : memref<1x128x64xf32, #tpu.memory_space<vmem>> -> memref<128x64xf32, #tpu.memory_space<vmem>>
    %dma_start3A_578 = arith.constant 0 : i32
    %dma_start3A_579 = tpu.memref_slice %arg3[%select_n3A_549, %select_n3A_565, %dma_start3A_578] : memref<16x2048x64xf32, #tpu.memory_space<hbm>> -> memref<1x128x64xf32, #tpu.memory_space<hbm>>
    %dma_start3A_580 = tpu.memref_squeeze %dma_start3A_579 : memref<1x128x64xf32, #tpu.memory_space<hbm>> -> memref<128x64xf32, #tpu.memory_space<hbm>>
    tpu.enqueue_dma source(%dma_start3A_580 : memref<128x64xf32, #tpu.memory_space<hbm>>) target(%dma_start3A_577 : memref<128x64xf32, #tpu.memory_space<vmem>>) target_semaphore(%arg11 : memref<!tpu.dma_semaphore, #tpu.memory_space<semaphore_mem>>)
    %dma_wait3A_581 = arith.constant 0 : i32
    %dma_wait3A_582 = arith.constant 0 : i32
    %dma_wait3A_583 = arith.constant 0 : i32
    %dma_wait3A_584 = tpu.memref_slice %arg7[%dma_wait3A_581, %dma_wait3A_582, %dma_wait3A_583] : memref<2x128x64xf32, #tpu.memory_space<vmem>> -> memref<1x128x64xf32, #tpu.memory_space<vmem>>
    %dma_wait3A_585 = tpu.memref_squeeze %dma_wait3A_584 : memref<1x128x64xf32, #tpu.memory_space<vmem>> -> memref<128x64xf32, #tpu.memory_space<vmem>>
    %dma_wait3A_586 = arith.constant 0 : i32
    %dma_wait3A_587 = tpu.memref_slice %arg3[%select_n3A_475, %select_n3A_491, %dma_wait3A_586] : memref<16x2048x64xf32, #tpu.memory_space<hbm>> -> memref<1x128x64xf32, #tpu.memory_space<hbm>>
    %dma_wait3A_588 = tpu.memref_squeeze %dma_wait3A_587 : memref<1x128x64xf32, #tpu.memory_space<hbm>> -> memref<128x64xf32, #tpu.memory_space<hbm>>
    %dma_wait3A_589 = arith.constant 0 : i32
    %dma_wait3A_590 = arith.constant 0 : i32
    %dma_wait3A_591 = tpu.memref_slice %arg7[%dma_wait3A_581, %dma_wait3A_589, %dma_wait3A_590] : memref<2x128x64xf32, #tpu.memory_space<vmem>> -> memref<1x128x64xf32, #tpu.memory_space<vmem>>
    %dma_wait3A_592 = tpu.memref_squeeze %dma_wait3A_591 : memref<1x128x64xf32, #tpu.memory_space<vmem>> -> memref<128x64xf32, #tpu.memory_space<vmem>>
    %dma_wait3A_593 = arith.constant 0 : i32
    %dma_wait3A_594 = tpu.memref_slice %arg3[%select_n3A_475, %select_n3A_491, %dma_wait3A_593] : memref<16x2048x64xf32, #tpu.memory_space<hbm>> -> memref<1x128x64xf32, #tpu.memory_space<hbm>>
    %dma_wait3A_595 = tpu.memref_squeeze %dma_wait3A_594 : memref<1x128x64xf32, #tpu.memory_space<hbm>> -> memref<128x64xf32, #tpu.memory_space<hbm>>
    tpu.wait_dma2 semaphore(%arg10 : memref<!tpu.dma_semaphore, #tpu.memory_space<semaphore_mem>>) src(%dma_wait3A_595 : memref<128x64xf32, #tpu.memory_space<hbm>>) dst(%dma_wait3A_592 : memref<128x64xf32, #tpu.memory_space<vmem>>)
    %run_scoped3A_596 = arith.constant 0 : i32
    %run_scoped3A_597 = arith.constant 6 : i32
    "tpu.region"() ({
      %run_scoped3A_624 = tpu.sem_alloc : memref<!tpu.dma_semaphore, #tpu.memory_space<semaphore_mem>>
      %dma_start3A_625 = arith.constant 0 : i32
      %dma_start3A_626 = arith.constant 0 : i32
      %dma_start3A_627 = tpu.memref_slice %arg7[%run_scoped3A_596, %dma_start3A_625, %dma_start3A_626] : memref<2x128x64xf32, #tpu.memory_space<vmem>> -> memref<1x128x64xf32, #tpu.memory_space<vmem>>
      %dma_start3A_628 = tpu.memref_squeeze %dma_start3A_627 : memref<1x128x64xf32, #tpu.memory_space<vmem>> -> memref<128x64xf32, #tpu.memory_space<vmem>>
      %dma_start3A_629 = arith.constant 0 : i32
      %dma_start3A_630 = tpu.memref_slice %arg5[%run_scoped3A_597, %dma_start3A_629] : memref<8x128xi32, #tpu.memory_space<vmem>> -> memref<1x128xi32, #tpu.memory_space<vmem>>
      %dma_start3A_631 = tpu.memref_squeeze %dma_start3A_630 : memref<1x128xi32, #tpu.memory_space<vmem>> -> memref<128xi32, #tpu.memory_space<vmem>>
      %dma_start3A_632 = arith.constant 0 : i32
      %dma_start3A_633 = arith.constant 0 : i32
      %dma_start3A_634 = tpu.memref_slice %arg8[%dma_start3A_632, %dma_start3A_633] : memref<10752x64xf32, #tpu.memory_space<vmem_shared>> -> memref<10752x64xf32, #tpu.memory_space<vmem_shared>>
      tpu.enqueue_indirect_dma source(%dma_start3A_628 : memref<128x64xf32, #tpu.memory_space<vmem>>) target(%dma_start3A_634 : memref<10752x64xf32, #tpu.memory_space<vmem_shared>>) offsets(%dma_start3A_631 : memref<128xi32, #tpu.memory_space<vmem>>) semaphore(%run_scoped3A_624 : memref<!tpu.dma_semaphore, #tpu.memory_space<semaphore_mem>>) {add = true}
      %dma_wait3A_635 = arith.constant 0 : i32
      %dma_wait3A_636 = arith.constant 0 : i32
      %dma_wait3A_637 = tpu.memref_slice %arg7[%run_scoped3A_596, %dma_wait3A_635, %dma_wait3A_636] : memref<2x128x64xf32, #tpu.memory_space<vmem>> -> memref<1x128x64xf32, #tpu.memory_space<vmem>>
      %dma_wait3A_638 = tpu.memref_squeeze %dma_wait3A_637 : memref<1x128x64xf32, #tpu.memory_space<vmem>> -> memref<128x64xf32, #tpu.memory_space<vmem>>
      %dma_wait3A_639 = arith.constant 0 : i32
      %dma_wait3A_640 = tpu.memref_slice %arg5[%run_scoped3A_597, %dma_wait3A_639] : memref<8x128xi32, #tpu.memory_space<vmem>> -> memref<1x128xi32, #tpu.memory_space<vmem>>
      %dma_wait3A_641 = tpu.memref_squeeze %dma_wait3A_640 : memref<1x128xi32, #tpu.memory_space<vmem>> -> memref<128xi32, #tpu.memory_space<vmem>>
      %dma_wait3A_642 = arith.constant 0 : i32
      %dma_wait3A_643 = arith.constant 0 : i32
      %dma_wait3A_644 = tpu.memref_slice %arg8[%dma_wait3A_642, %dma_wait3A_643] : memref<10752x64xf32, #tpu.memory_space<vmem_shared>> -> memref<10752x64xf32, #tpu.memory_space<vmem_shared>>
      tpu.wait_indirect_dma semaphore(%run_scoped3A_624 : memref<!tpu.dma_semaphore, #tpu.memory_space<semaphore_mem>>) src(%dma_wait3A_638 : memref<128x64xf32, #tpu.memory_space<vmem>>) dst(%dma_wait3A_644 : memref<10752x64xf32, #tpu.memory_space<vmem_shared>>)
      tpu.yield
    }) : () -> ()
    %dma_wait3A_598 = arith.constant 1 : i32
    %dma_wait3A_599 = arith.constant 0 : i32
    %dma_wait3A_600 = arith.constant 0 : i32
    %dma_wait3A_601 = tpu.memref_slice %arg7[%dma_wait3A_598, %dma_wait3A_599, %dma_wait3A_600] : memref<2x128x64xf32, #tpu.memory_space<vmem>> -> memref<1x128x64xf32, #tpu.memory_space<vmem>>
    %dma_wait3A_602 = tpu.memref_squeeze %dma_wait3A_601 : memref<1x128x64xf32, #tpu.memory_space<vmem>> -> memref<128x64xf32, #tpu.memory_space<vmem>>
    %dma_wait3A_603 = arith.constant 0 : i32
    %dma_wait3A_604 = tpu.memref_slice %arg3[%select_n3A_549, %select_n3A_565, %dma_wait3A_603] : memref<16x2048x64xf32, #tpu.memory_space<hbm>> -> memref<1x128x64xf32, #tpu.memory_space<hbm>>
    %dma_wait3A_605 = tpu.memref_squeeze %dma_wait3A_604 : memref<1x128x64xf32, #tpu.memory_space<hbm>> -> memref<128x64xf32, #tpu.memory_space<hbm>>
    %dma_wait3A_606 = arith.constant 0 : i32
    %dma_wait3A_607 = arith.constant 0 : i32
    %dma_wait3A_608 = tpu.memref_slice %arg7[%dma_wait3A_598, %dma_wait3A_606, %dma_wait3A_607] : memref<2x128x64xf32, #tpu.memory_space<vmem>> -> memref<1x128x64xf32, #tpu.memory_space<vmem>>
    %dma_wait3A_609 = tpu.memref_squeeze %dma_wait3A_608 : memref<1x128x64xf32, #tpu.memory_space<vmem>> -> memref<128x64xf32, #tpu.memory_space<vmem>>
    %dma_wait3A_610 = arith.constant 0 : i32
    %dma_wait3A_611 = tpu.memref_slice %arg3[%select_n3A_549, %select_n3A_565, %dma_wait3A_610] : memref<16x2048x64xf32, #tpu.memory_space<hbm>> -> memref<1x128x64xf32, #tpu.memory_space<hbm>>
    %dma_wait3A_612 = tpu.memref_squeeze %dma_wait3A_611 : memref<1x128x64xf32, #tpu.memory_space<hbm>> -> memref<128x64xf32, #tpu.memory_space<hbm>>
    tpu.wait_dma2 semaphore(%arg11 : memref<!tpu.dma_semaphore, #tpu.memory_space<semaphore_mem>>) src(%dma_wait3A_612 : memref<128x64xf32, #tpu.memory_space<hbm>>) dst(%dma_wait3A_609 : memref<128x64xf32, #tpu.memory_space<vmem>>)
    %run_scoped3A_613 = arith.constant 1 : i32
    %run_scoped3A_614 = arith.constant 7 : i32
    "tpu.region"() ({
      %run_scoped3A_624 = tpu.sem_alloc : memref<!tpu.dma_semaphore, #tpu.memory_space<semaphore_mem>>
      %dma_start3A_625 = arith.constant 0 : i32
      %dma_start3A_626 = arith.constant 0 : i32
      %dma_start3A_627 = tpu.memref_slice %arg7[%run_scoped3A_613, %dma_start3A_625, %dma_start3A_626] : memref<2x128x64xf32, #tpu.memory_space<vmem>> -> memref<1x128x64xf32, #tpu.memory_space<vmem>>
      %dma_start3A_628 = tpu.memref_squeeze %dma_start3A_627 : memref<1x128x64xf32, #tpu.memory_space<vmem>> -> memref<128x64xf32, #tpu.memory_space<vmem>>
      %dma_start3A_629 = arith.constant 0 : i32
      %dma_start3A_630 = tpu.memref_slice %arg5[%run_scoped3A_614, %dma_start3A_629] : memref<8x128xi32, #tpu.memory_space<vmem>> -> memref<1x128xi32, #tpu.memory_space<vmem>>
      %dma_start3A_631 = tpu.memref_squeeze %dma_start3A_630 : memref<1x128xi32, #tpu.memory_space<vmem>> -> memref<128xi32, #tpu.memory_space<vmem>>
      %dma_start3A_632 = arith.constant 0 : i32
      %dma_start3A_633 = arith.constant 0 : i32
      %dma_start3A_634 = tpu.memref_slice %arg8[%dma_start3A_632, %dma_start3A_633] : memref<10752x64xf32, #tpu.memory_space<vmem_shared>> -> memref<10752x64xf32, #tpu.memory_space<vmem_shared>>
      tpu.enqueue_indirect_dma source(%dma_start3A_628 : memref<128x64xf32, #tpu.memory_space<vmem>>) target(%dma_start3A_634 : memref<10752x64xf32, #tpu.memory_space<vmem_shared>>) offsets(%dma_start3A_631 : memref<128xi32, #tpu.memory_space<vmem>>) semaphore(%run_scoped3A_624 : memref<!tpu.dma_semaphore, #tpu.memory_space<semaphore_mem>>) {add = true}
      %dma_wait3A_635 = arith.constant 0 : i32
      %dma_wait3A_636 = arith.constant 0 : i32
      %dma_wait3A_637 = tpu.memref_slice %arg7[%run_scoped3A_613, %dma_wait3A_635, %dma_wait3A_636] : memref<2x128x64xf32, #tpu.memory_space<vmem>> -> memref<1x128x64xf32, #tpu.memory_space<vmem>>
      %dma_wait3A_638 = tpu.memref_squeeze %dma_wait3A_637 : memref<1x128x64xf32, #tpu.memory_space<vmem>> -> memref<128x64xf32, #tpu.memory_space<vmem>>
      %dma_wait3A_639 = arith.constant 0 : i32
      %dma_wait3A_640 = tpu.memref_slice %arg5[%run_scoped3A_614, %dma_wait3A_639] : memref<8x128xi32, #tpu.memory_space<vmem>> -> memref<1x128xi32, #tpu.memory_space<vmem>>
      %dma_wait3A_641 = tpu.memref_squeeze %dma_wait3A_640 : memref<1x128xi32, #tpu.memory_space<vmem>> -> memref<128xi32, #tpu.memory_space<vmem>>
      %dma_wait3A_642 = arith.constant 0 : i32
      %dma_wait3A_643 = arith.constant 0 : i32
      %dma_wait3A_644 = tpu.memref_slice %arg8[%dma_wait3A_642, %dma_wait3A_643] : memref<10752x64xf32, #tpu.memory_space<vmem_shared>> -> memref<10752x64xf32, #tpu.memory_space<vmem_shared>>
      tpu.wait_indirect_dma semaphore(%run_scoped3A_624 : memref<!tpu.dma_semaphore, #tpu.memory_space<semaphore_mem>>) src(%dma_wait3A_638 : memref<128x64xf32, #tpu.memory_space<vmem>>) dst(%dma_wait3A_644 : memref<10752x64xf32, #tpu.memory_space<vmem_shared>>)
      tpu.yield
    }) : () -> ()
    %barrier3A_615 = arith.constant 0 : index
    tpu.barrier barrier_id(%barrier3A_615)
    %lt3A_616 = arith.constant 15 : i32
    %lt3A_617 = arith.cmpi slt, %arg1, %lt3A_616 : i32
    %convert_element_type3A = arith.extui %lt3A_617 : i1 to i32
    %cond3A = arith.constant 0 : i32
    %cond3A_618 = arith.cmpi ne, %convert_element_type3A, %cond3A : i32
    scf.if %cond3A_618 {
      %mul3A_624 = arith.constant 672 : i32
      %mul3A_625 = arith.muli %arg1, %mul3A_624 : i32
      %mul3A_626 = arith.constant 672 : i32
      %mul3A_627 = arith.muli %arg1, %mul3A_626 : i32
      "tpu.region"() ({
        %run_scoped3A_628 = tpu.sem_alloc : memref<!tpu.dma_semaphore, #tpu.memory_space<semaphore_mem>>
        %dma_start3A_629 = arith.constant 0 : i32
        %dma_start3A_630 = tpu.memref_slice %arg4[%arg0, %mul3A_627, %dma_start3A_629] : memref<2x10584x64xf32, #tpu.memory_space<hbm>> -> memref<1x672x64xf32, #tpu.memory_space<hbm>>
        %dma_start3A_631 = tpu.memref_squeeze %dma_start3A_630 : memref<1x672x64xf32, #tpu.memory_space<hbm>> -> memref<672x64xf32, #tpu.memory_space<hbm>>
        %dma_start3A_632 = arith.constant 0 : i32
        %dma_start3A_633 = tpu.memref_slice %arg8[%mul3A_625, %dma_start3A_632] : memref<10752x64xf32, #tpu.memory_space<vmem_shared>> -> memref<672x64xf32, #tpu.memory_space<vmem_shared>>
        tpu.enqueue_dma source(%dma_start3A_633 : memref<672x64xf32, #tpu.memory_space<vmem_shared>>) target(%dma_start3A_631 : memref<672x64xf32, #tpu.memory_space<hbm>>) target_semaphore(%run_scoped3A_628 : memref<!tpu.dma_semaphore, #tpu.memory_space<semaphore_mem>>)
        %dma_wait3A_634 = arith.constant 0 : i32
        %dma_wait3A_635 = tpu.memref_slice %arg4[%arg0, %mul3A_627, %dma_wait3A_634] : memref<2x10584x64xf32, #tpu.memory_space<hbm>> -> memref<1x672x64xf32, #tpu.memory_space<hbm>>
        %dma_wait3A_636 = tpu.memref_squeeze %dma_wait3A_635 : memref<1x672x64xf32, #tpu.memory_space<hbm>> -> memref<672x64xf32, #tpu.memory_space<hbm>>
        %dma_wait3A_637 = arith.constant 0 : i32
        %dma_wait3A_638 = tpu.memref_slice %arg8[%mul3A_625, %dma_wait3A_637] : memref<10752x64xf32, #tpu.memory_space<vmem_shared>> -> memref<672x64xf32, #tpu.memory_space<vmem_shared>>
        tpu.wait_dma2 semaphore(%run_scoped3A_628 : memref<!tpu.dma_semaphore, #tpu.memory_space<semaphore_mem>>) src(%dma_wait3A_638 : memref<672x64xf32, #tpu.memory_space<vmem_shared>>) dst(%dma_wait3A_636 : memref<672x64xf32, #tpu.memory_space<hbm>>)
        tpu.yield
      }) : () -> ()
    } else {
    }
    %eq3A_619 = arith.constant 15 : i32
    %eq3A_620 = arith.cmpi eq, %arg1, %eq3A_619 : i32
    %convert_element_type3A_621 = arith.extui %eq3A_620 : i1 to i32
    %cond3A_622 = arith.constant 0 : i32
    %cond3A_623 = arith.cmpi ne, %convert_element_type3A_621, %cond3A_622 : i32
    scf.if %cond3A_623 {
      "tpu.region"() ({
        %run_scoped3A_624 = tpu.sem_alloc : memref<!tpu.dma_semaphore, #tpu.memory_space<semaphore_mem>>
        %dma_start3A_625 = arith.constant 10080 : i32
        %dma_start3A_626 = arith.constant 0 : i32
        %dma_start3A_627 = tpu.memref_slice %arg4[%arg0, %dma_start3A_625, %dma_start3A_626] : memref<2x10584x64xf32, #tpu.memory_space<hbm>> -> memref<1x504x64xf32, #tpu.memory_space<hbm>>
        %dma_start3A_628 = tpu.memref_squeeze %dma_start3A_627 : memref<1x504x64xf32, #tpu.memory_space<hbm>> -> memref<504x64xf32, #tpu.memory_space<hbm>>
        %dma_start3A_629 = arith.constant 10080 : i32
        %dma_start3A_630 = arith.constant 0 : i32
        %dma_start3A_631 = tpu.memref_slice %arg8[%dma_start3A_629, %dma_start3A_630] : memref<10752x64xf32, #tpu.memory_space<vmem_shared>> -> memref<504x64xf32, #tpu.memory_space<vmem_shared>>
        tpu.enqueue_dma source(%dma_start3A_631 : memref<504x64xf32, #tpu.memory_space<vmem_shared>>) target(%dma_start3A_628 : memref<504x64xf32, #tpu.memory_space<hbm>>) target_semaphore(%run_scoped3A_624 : memref<!tpu.dma_semaphore, #tpu.memory_space<semaphore_mem>>)
        %dma_wait3A_632 = arith.constant 10080 : i32
        %dma_wait3A_633 = arith.constant 0 : i32
        %dma_wait3A_634 = tpu.memref_slice %arg4[%arg0, %dma_wait3A_632, %dma_wait3A_633] : memref<2x10584x64xf32, #tpu.memory_space<hbm>> -> memref<1x504x64xf32, #tpu.memory_space<hbm>>
        %dma_wait3A_635 = tpu.memref_squeeze %dma_wait3A_634 : memref<1x504x64xf32, #tpu.memory_space<hbm>> -> memref<504x64xf32, #tpu.memory_space<hbm>>
        %dma_wait3A_636 = arith.constant 10080 : i32
        %dma_wait3A_637 = arith.constant 0 : i32
        %dma_wait3A_638 = tpu.memref_slice %arg8[%dma_wait3A_636, %dma_wait3A_637] : memref<10752x64xf32, #tpu.memory_space<vmem_shared>> -> memref<504x64xf32, #tpu.memory_space<vmem_shared>>
        tpu.wait_dma2 semaphore(%run_scoped3A_624 : memref<!tpu.dma_semaphore, #tpu.memory_space<semaphore_mem>>) src(%dma_wait3A_638 : memref<504x64xf32, #tpu.memory_space<vmem_shared>>) dst(%dma_wait3A_635 : memref<504x64xf32, #tpu.memory_space<hbm>>)
        tpu.yield
      }) : () -> ()
    } else {
    }
    return
  }
}

module attributes {stable_mosaic.version = 14 : i64} {
  func.func @_voxelize_body(%arg0: memref<3x256x128xf32, #tpu.memory_space<vmem>>, %arg1: memref<256x128xi32, #tpu.memory_space<vmem>>) attributes {dimension_semantics = [], scalar_prefetch = 0 : i64, scratch_operands = 0 : i64, tpu.core_type = #tpu.core_type<tc>} {
    %get3A = arith.constant 0 : index
    %get3A_0 = arith.constant 0 : index
    %get3A_1 = arith.constant 0 : index
    %get3A_2 = vector.load %arg0[%get3A, %get3A_0, %get3A_1] : memref<3x256x128xf32, #tpu.memory_space<vmem>>, vector<1x256x128xf32>
    %get3A_3 = vector.shape_cast %get3A_2 : vector<1x256x128xf32> to vector<256x128xf32>
    %get3A_4 = arith.constant 1 : index
    %get3A_5 = arith.constant 0 : index
    %get3A_6 = arith.constant 0 : index
    %get3A_7 = vector.load %arg0[%get3A_4, %get3A_5, %get3A_6] : memref<3x256x128xf32, #tpu.memory_space<vmem>>, vector<1x256x128xf32>
    %get3A_8 = vector.shape_cast %get3A_7 : vector<1x256x128xf32> to vector<256x128xf32>
    %get3A_9 = arith.constant 2 : index
    %get3A_10 = arith.constant 0 : index
    %get3A_11 = arith.constant 0 : index
    %get3A_12 = vector.load %arg0[%get3A_9, %get3A_10, %get3A_11] : memref<3x256x128xf32, #tpu.memory_space<vmem>>, vector<1x256x128xf32>
    %get3A_13 = vector.shape_cast %get3A_12 : vector<1x256x128xf32> to vector<256x128xf32>
    %add3A = arith.constant 1.000000e+01 : f32
    %add3A_14 = vector.broadcast %add3A : f32 to vector<256x128xf32>
    %add3A_15 = arith.addf %get3A_3, %add3A_14 : vector<256x128xf32>
    %div3A = arith.constant 1.000000e+00 : f32
    %div3A_16 = vector.broadcast %div3A : f32 to vector<256x128xf32>
    %div3A_17 = arith.divf %add3A_15, %div3A_16 : vector<256x128xf32>
    %round3A = math.roundeven %div3A_17 : vector<256x128xf32>
    %add3A_18 = arith.constant 1.000000e+01 : f32
    %add3A_19 = vector.broadcast %add3A_18 : f32 to vector<256x128xf32>
    %add3A_20 = arith.addf %get3A_8, %add3A_19 : vector<256x128xf32>
    %div3A_21 = arith.constant 1.000000e+00 : f32
    %div3A_22 = vector.broadcast %div3A_21 : f32 to vector<256x128xf32>
    %div3A_23 = arith.divf %add3A_20, %div3A_22 : vector<256x128xf32>
    %round3A_24 = math.roundeven %div3A_23 : vector<256x128xf32>
    %add3A_25 = arith.constant 1.000000e+01 : f32
    %add3A_26 = vector.broadcast %add3A_25 : f32 to vector<256x128xf32>
    %add3A_27 = arith.addf %get3A_13, %add3A_26 : vector<256x128xf32>
    %div3A_28 = arith.constant 1.000000e+00 : f32
    %div3A_29 = vector.broadcast %div3A_28 : f32 to vector<256x128xf32>
    %div3A_30 = arith.divf %add3A_27, %div3A_29 : vector<256x128xf32>
    %round3A_31 = math.roundeven %div3A_30 : vector<256x128xf32>
    %ge3A = arith.constant 0.000000e+00 : f32
    %ge3A_32 = vector.broadcast %ge3A : f32 to vector<256x128xf32>
    %ge3A_33 = arith.cmpf oge, %round3A, %ge3A_32 : vector<256x128xf32>
    %le3A = arith.constant 2.000000e+01 : f32
    %le3A_34 = vector.broadcast %le3A : f32 to vector<256x128xf32>
    %le3A_35 = arith.cmpf ole, %round3A, %le3A_34 : vector<256x128xf32>
    %and3A = arith.andi %ge3A_33, %le3A_35 : vector<256x128xi1>
    %ge3A_36 = arith.constant 0.000000e+00 : f32
    %ge3A_37 = vector.broadcast %ge3A_36 : f32 to vector<256x128xf32>
    %ge3A_38 = arith.cmpf oge, %round3A_24, %ge3A_37 : vector<256x128xf32>
    %and3A_39 = arith.andi %and3A, %ge3A_38 : vector<256x128xi1>
    %le3A_40 = arith.constant 2.000000e+01 : f32
    %le3A_41 = vector.broadcast %le3A_40 : f32 to vector<256x128xf32>
    %le3A_42 = arith.cmpf ole, %round3A_24, %le3A_41 : vector<256x128xf32>
    %and3A_43 = arith.andi %and3A_39, %le3A_42 : vector<256x128xi1>
    %ge3A_44 = arith.constant 0.000000e+00 : f32
    %ge3A_45 = vector.broadcast %ge3A_44 : f32 to vector<256x128xf32>
    %ge3A_46 = arith.cmpf oge, %round3A_31, %ge3A_45 : vector<256x128xf32>
    %and3A_47 = arith.andi %and3A_43, %ge3A_46 : vector<256x128xi1>
    %le3A_48 = arith.constant 2.000000e+01 : f32
    %le3A_49 = vector.broadcast %le3A_48 : f32 to vector<256x128xf32>
    %le3A_50 = arith.cmpf ole, %round3A_31, %le3A_49 : vector<256x128xf32>
    %and3A_51 = arith.andi %and3A_47, %le3A_50 : vector<256x128xi1>
    %jit3A = arith.constant 0.000000e+00 : f32
    %jit3A_52 = arith.constant 2.000000e+01 : f32
    %max3A = vector.broadcast %jit3A : f32 to vector<256x128xf32>
    %max3A_53 = arith.maximumf %max3A, %round3A : vector<256x128xf32>
    %min3A = vector.broadcast %jit3A_52 : f32 to vector<256x128xf32>
    %min3A_54 = arith.minimumf %min3A, %max3A_53 : vector<256x128xf32>
    %jit3A_55 = arith.constant 0.000000e+00 : f32
    %jit3A_56 = arith.constant 2.000000e+01 : f32
    %max3A_57 = vector.broadcast %jit3A_55 : f32 to vector<256x128xf32>
    %max3A_58 = arith.maximumf %max3A_57, %round3A_24 : vector<256x128xf32>
    %min3A_59 = vector.broadcast %jit3A_56 : f32 to vector<256x128xf32>
    %min3A_60 = arith.minimumf %min3A_59, %max3A_58 : vector<256x128xf32>
    %jit3A_61 = arith.constant 0.000000e+00 : f32
    %jit3A_62 = arith.constant 2.000000e+01 : f32
    %max3A_63 = vector.broadcast %jit3A_61 : f32 to vector<256x128xf32>
    %max3A_64 = arith.maximumf %max3A_63, %round3A_31 : vector<256x128xf32>
    %min3A_65 = vector.broadcast %jit3A_62 : f32 to vector<256x128xf32>
    %min3A_66 = arith.minimumf %min3A_65, %max3A_64 : vector<256x128xf32>
    %mul3A = arith.constant 5.040000e+02 : f32
    %mul3A_67 = vector.broadcast %mul3A : f32 to vector<256x128xf32>
    %mul3A_68 = arith.mulf %min3A_54, %mul3A_67 : vector<256x128xf32>
    %mul3A_69 = arith.constant 2.400000e+01 : f32
    %mul3A_70 = vector.broadcast %mul3A_69 : f32 to vector<256x128xf32>
    %mul3A_71 = arith.mulf %min3A_60, %mul3A_70 : vector<256x128xf32>
    %add3A_72 = arith.addf %mul3A_68, %mul3A_71 : vector<256x128xf32>
    %add3A_73 = arith.addf %add3A_72, %min3A_66 : vector<256x128xf32>
    %convert_element_type3A = arith.fptosi %add3A_73 : vector<256x128xf32> to vector<256x128xi32>
    %jit3A_74 = arith.constant 10751 : i32
    %broadcast_in_dim3A = vector.broadcast %jit3A_74 : i32 to vector<256x128xi32>
    %select_n3A = arith.select %and3A_51, %convert_element_type3A, %broadcast_in_dim3A : vector<256x128xi1>, vector<256x128xi32>
    %swap3A = arith.constant 0 : index
    %swap3A_75 = arith.constant 0 : index
    %swap3A_76 = vector.load %arg1[%swap3A, %swap3A_75] : memref<256x128xi32, #tpu.memory_space<vmem>>, vector<256x128xi32>
    tpu.vector_store %arg1[%swap3A, %swap3A_75], %select_n3A {strides = array<i32>} : memref<256x128xi32, #tpu.memory_space<vmem>>, vector<256x128xi32>,
    return
  }
}

module attributes {stable_mosaic.version = 14 : i64} {
  func.func @_combine_body(%arg0: memref<2x21x21x24x64xf32, #tpu.memory_space<vmem>>, %arg1: memref<1x21x21x21x64xf32, #tpu.memory_space<vmem>>) attributes {dimension_semantics = [], scalar_prefetch = 0 : i64, scratch_operands = 0 : i64, tpu.core_type = #tpu.core_type<tc>} {
    %get3A = arith.constant 0 : index
    %get3A_0 = arith.constant 0 : index
    %get3A_1 = arith.constant 0 : index
    %get3A_2 = arith.constant 0 : index
    %get3A_3 = arith.constant 0 : index
    %get3A_4 = vector.load %arg0[%get3A, %get3A_0, %get3A_1, %get3A_2, %get3A_3] : memref<2x21x21x24x64xf32, #tpu.memory_space<vmem>>, vector<1x21x21x24x64xf32>
    %get3A_5 = vector.shape_cast %get3A_4 : vector<1x21x21x24x64xf32> to vector<21x21x24x64xf32>
    %get3A_6 = arith.constant 1 : index
    %get3A_7 = arith.constant 0 : index
    %get3A_8 = arith.constant 0 : index
    %get3A_9 = arith.constant 0 : index
    %get3A_10 = arith.constant 0 : index
    %get3A_11 = vector.load %arg0[%get3A_6, %get3A_7, %get3A_8, %get3A_9, %get3A_10] : memref<2x21x21x24x64xf32, #tpu.memory_space<vmem>>, vector<1x21x21x24x64xf32>
    %get3A_12 = vector.shape_cast %get3A_11 : vector<1x21x21x24x64xf32> to vector<21x21x24x64xf32>
    %add3A = arith.addf %get3A_5, %get3A_12 : vector<21x21x24x64xf32>
    %slice3A = vector.extract_strided_slice %add3A {offsets = [0, 0, 0, 0], sizes = [21, 21, 21, 64], strides = [1, 1, 1, 1]} : vector<21x21x24x64xf32> to vector<21x21x21x64xf32>
    %broadcast_in_dim3A = vector.shape_cast %slice3A : vector<21x21x21x64xf32> to vector<1x21x21x21x64xf32>
    %swap3A = arith.constant 0 : index
    %swap3A_13 = arith.constant 0 : index
    %swap3A_14 = arith.constant 0 : index
    %swap3A_15 = arith.constant 0 : index
    %swap3A_16 = arith.constant 0 : index
    %swap3A_17 = vector.load %arg1[%swap3A, %swap3A_13, %swap3A_14, %swap3A_15, %swap3A_16] : memref<1x21x21x21x64xf32, #tpu.memory_space<vmem>>, vector<1x21x21x21x64xf32>
    tpu.vector_store %arg1[%swap3A, %swap3A_13, %swap3A_14, %swap3A_15, %swap3A_16], %broadcast_in_dim3A {strides = array<i32>} : memref<1x21x21x21x64xf32, #tpu.memory_space<vmem>>, vector<1x21x21x21x64xf32>,
    return
  }
}

</mosaic_0001>

<sc_bundles>
// kernel: kernel.5.cloned.1.call-start
scs
__scs_entry_jumppad:
0x0: {  	(pc) =	sbr.rel $0x88, $3  }
0x1: {  	(tag) =	ssettag $0x0;
	lr =	simm.s32 $0x1  }
0x2: {  	[smem:$0x3F9F] =	sst lr;
	_ =	strace $0xD0000000  }
0x3: {  	_ = 	snop  }
0x4: {  	_ = 	snop  }
0x5: {  	_ = 	snop  }
0x6: {  	_ = 	snop  }
0x7: {  	_ = 	snop  }
__scs_overlays_trampoline_lowered:
0x8: {  	[smem:$0x3FAE] =	sst s0  }
0x9: {  	[smem:$0x3FAF] =	sst s1  }
0xa: {  	[smem:$0x3FB0] =	sst s2  }
0xb: {  	[smem:$0x3FB1] =	sst s3  }
0xc: {  	[smem:$0x3FB2] =	sst s4  }
0xd: {  	[smem:$0x3FB3] =	sst s5  }
0xe: {  	[smem:$0x3FB4] =	sst s6  }
0xf: {  	[smem:$0x3FB5] =	sst s7  }
0x10: {  	[smem:$0x3FB6] =	sst s8  }
0x11: {  	[smem:$0x3FB7] =	sst s9;
	s0 =	simm.s32 @!p0 $0x0  }
0x12: {  	s1 =	sld [smem:$0x3F9D];
	s0 =	simm.s32 @p0 $0x1  }
0x13: {  	[smem:$0x3FB8] =	sst s0;
	s0 =	simm.s32 @!p1 $0x0  }
0x14: {  	s2 =	sld [smem:$0x3F9C];
	s0 =	simm.s32 @p1 $0x1  }
0x15: {  	[smem:$0x3FB9] =	sst s0;
	s0 =	simm.s32 @!p2 $0x0  }
0x16: {  	s3 =	sld [smem:$0x3FDB];
	s0 =	simm.s32 @p2 $0x1  }
0x17: {  	s4 =	simm.s32 $0x1BF5;
	[smem:$0x3FBB] =	sst s0  }
0x18: {  	s0 =	sld [smem:$0x3F9E];
	_ =	swait.ge [sflag:s4], $0x0  }
0x19: {  	s7 =	sld [smem:$0x3F9F]  }
0x1a: {  	s8 =	sadd.s32 $0xFFFFE003, lr  }
0x1b: {  	s9 =	sadd.s32 $0xFFFFFEF7, lr;
	s5 =	simm.s32 $0xFFFFFFFF;
	p2 =	slt.u32 s8, $0xFFFFF086  }
0x1c: {  	p1 =	slt.u32 s9, $0xF7A;
	s5 =	simm.s32 @!p2 $0x0  }
0x1d: {  	s5 =	simm.s32 @p1 $0x1;
	p0 =	seq.s32 s7, s2  }
0x1e: {  	s7 =	smul.u32 @!p0 $0xF7A, s2;
	p2 =	seq.s32 @!p0 s5, $0x0  }
0x1f: {  	s9 =	smul.u32 $0xF7A, s1;
	s8 =	simm.s32 @!p0 $0x1BF5;
	p2 =	por !p2, p0  }
0x20: {  	[sflag:s8] =	ssyncset.s32 @!p0 $0xFFFFF086;
	s6 =	sadd.s32 @!p0 s3, s7;
	s7 =	simm.s32 @!p0 $0x108  }
0x21: {  	s3 =	sadd.s32 s3, s9;
	s6 =	sadd.s32 @!p0 $0x88, s6;
	s7 =	simm.s32 @p2 $0x1082  }
0x22: {  	[simem:s7], [sflag:s8] =	dma.local @!p0 [hbm:s6], $0xF7A  }
0x23: {  	s9 =	sor.u32 $0xD0000000, s2;
	s6 =	simm.s32 $0x108;
	_ =	swait.ge @!p0 [sflag:s8], $0x0  }
0x24: {  	s3 =	sadd.s32 $0x88, s3;
	s6 =	simm.s32 @!p1 $0x1082;
	[sflag:s4] =	ssyncset.s32 $0xFFFFF086  }
0x25: {  	[simem:s6], [sflag:s4] =	dma.local [hbm:s3], $0xF7A  }
0x26: {  	[smem:$0x3F9F] =	sst s1;
	(tag) =	ssettag s2;
	_ =	strace s9  }
0x27: {  	s1 =	sld [smem:$0x3FAF]  }
0x28: {  	s2 =	sld [smem:$0x3FB0]  }
0x29: {  	s4 =	sld [smem:$0x3FB2]  }
0x2a: {  	p0 =	seq.s32 s5, $0x0;
	s5 =	sld [smem:$0x3FB3]  }
0x2b: {  	s6 =	sld [smem:$0x3FB4]  }
0x2c: {  	s7 =	sld [smem:$0x3FB5]  }
0x2d: {  	s3 =	simm.s32 $0x108;
	s8 =	sld [smem:$0x3FB6]  }
0x2e: {  	s3 =	simm.s32 @!p0 $0x1082;
	s9 =	sld [smem:$0x3FB7]  }
0x2f: {  	lr =	sadd.s32 s0, s3;
	s0 =	sld [smem:$0x3FAE]  }
0x30: {  	s3 =	sld [smem:$0x3FB1]  }
0x31: {  	[smem:$0x3FBA] =	sst s10  }
0x32: {  	s10 =	sld [smem:$0x3FB8];
	_ =	sdelay $0x3  }
0x33: {  	p0 =	seq.s32 s10, $0x1;
	s10 =	sld [smem:$0x3FBA];
	_ =	sdelay $0x3  }
0x34: {  	[smem:$0x3FBA] =	sst s10  }
0x35: {  	s10 =	sld [smem:$0x3FB9];
	_ =	sdelay $0x3  }
0x36: {  	p1 =	seq.s32 s10, $0x1;
	s10 =	sld [smem:$0x3FBA];
	_ =	sdelay $0x3  }
0x37: {  	[smem:$0x3FBA] =	sst s10  }
0x38: {  	s10 =	sld [smem:$0x3FBB]  }
0x39: {  	_ = 	snop;
	(pc) =	sbr.ind lr, $3  }
0x3a: {  	_ = 	snop  }
0x3b: {  	_ = 	snop  }
0x3c: {  	p2 =	seq.s32 s10, $0x1;
	s10 =	sld [smem:$0x3FBA]  }
0x3d: {  	_ =	shalt  }
0x3e: {  	_ =	shalt  }
0x3f: {  	_ =	shalt  }
0x40: {  	_ =	shalt  }
0x41: {  	_ =	shalt  }
0x42: {  	_ =	shalt  }
0x43: {  	_ =	shalt  }
0x44: {  	_ =	shalt  }
0x45: {  	_ =	shalt  }
0x46: {  	_ =	shalt  }
0x47: {  	_ =	shalt  }
0x48: {  	_ =	shalt  }
0x49: {  	_ =	shalt  }
0x4a: {  	_ =	shalt  }
0x4b: {  	_ =	shalt  }
0x4c: {  	_ =	shalt  }
0x4d: {  	_ =	shalt  }
0x4e: {  	_ =	shalt  }
0x4f: {  	_ =	shalt  }
0x50: {  	_ =	shalt  }
0x51: {  	_ =	shalt  }
0x52: {  	_ =	shalt  }
0x53: {  	_ =	shalt  }
0x54: {  	_ =	shalt  }
0x55: {  	_ =	shalt  }
0x56: {  	_ =	shalt  }
0x57: {  	_ =	shalt  }
0x58: {  	_ =	shalt  }
0x59: {  	_ =	shalt  }
0x5a: {  	_ =	shalt  }
0x5b: {  	_ =	shalt  }
0x5c: {  	_ =	shalt  }
0x5d: {  	_ =	shalt  }
0x5e: {  	_ =	shalt  }
0x5f: {  	_ =	shalt  }
0x60: {  	_ =	shalt  }
0x61: {  	_ =	shalt  }
0x62: {  	_ =	shalt  }
0x63: {  	_ =	shalt  }
0x64: {  	_ =	shalt  }
0x65: {  	_ =	shalt  }
0x66: {  	_ =	shalt  }
0x67: {  	_ =	shalt  }
0x68: {  	_ =	shalt  }
0x69: {  	_ =	shalt  }
0x6a: {  	_ =	shalt  }
0x6b: {  	_ =	shalt  }
0x6c: {  	_ =	shalt  }
0x6d: {  	_ =	shalt  }
0x6e: {  	_ =	shalt  }
0x6f: {  	_ =	shalt  }
0x70: {  	_ =	shalt  }
0x71: {  	_ =	shalt  }
0x72: {  	_ =	shalt  }
0x73: {  	_ =	shalt  }
0x74: {  	_ =	shalt  }
0x75: {  	_ =	shalt  }
0x76: {  	_ =	shalt  }
0x77: {  	_ =	shalt  }
0x78: {  	_ =	shalt  }
0x79: {  	_ =	shalt  }
0x7a: {  	_ =	shalt  }
0x7b: {  	_ =	shalt  }
0x7c: {  	_ =	shalt  }
0x7d: {  	_ =	shalt  }
0x7e: {  	_ =	shalt  }
0x7f: {  	_ =	shalt  }
0x80: {  	_ =	shalt  }
0x81: {  	_ =	shalt  }
0x82: {  	_ =	shalt  }
0x83: {  	_ =	shalt  }
0x84: {  	_ =	shalt  }
0x85: {  	_ =	shalt  }
0x86: {  	_ =	shalt  }
0x87: {  	_ =	shalt  }
.Lfunc_end0:
.L_simem_size_0:
called_computation_lowered:
.L_overlay_start_0:
0x88: {  	s2 =	sld [smem:$0x3FD9]  }
0x89: {  	s3 =	sld [smem:$0x3FFE];
	_ =	sdelay $0x1  }
0x8a: {  	s1 =	srdreg.scid  }
0x8b: {  	s0 =	sand.u32 $0x1, s1  }
0x8c: {  	s17 =	sshll.u32 s0, $0xA;
	s2 =	sadd.s32 s3, s2  }
0x8d: {  	s2 =	sadd.s32 s2, s17  }
0x8e: {  	[smem:$0x3FC6] =	sst s2  }
0x8f: {  	_ = 	snop  }
0x90: {  	s2 =	sld [smem:$0x3FD0];
	(tm) =	ssettm $0x1  }
0x91: {  	s18 =	sld [smem:$0x3FFB];
	_ =	sdelay $0x3  }
0x92: {  	_ =	strace s18  }
0x93: {  	s3 =	sld [smem:$0x3FFC];
	_ =	sdelay $0x3  }
0x94: {  	_ =	strace s3  }
0x95: {  	s3 =	sld [smem:$0x3FFD];
	_ =	sdelay $0x3  }
0x96: {  	_ =	strace s3  }
0x97: {  	_ =	strace $0x8FFFFFFF  }
0x98: {  	s19 =	sld [smem:$0x3FDB];
	_ =	sdelay $0x1  }
0x99: {  	s4 =	simm.s32 $_scs_section_size  }
0x9a: {  	s5 =	simm.s32 $_size__tile_overlayer_lowered;
	s6 =	simm.s32 $_tile_overlayer_lowered  }
0x9b: {  	s22 =	simm.s32 $0x1BFF;
	s21 =	sshll.u32 s6, $0x1;
	s3 =	sadd.s32 s4, s19  }
0x9c: {  	s7 =	simm.s32 $0x0;
	s20 =	sshll.u32 s5, $0x1;
	s5 =	sadd.s32 s21, s3  }
0x9d: {  	[timem:s7], [sflag:s22] =	dma.local [hbm:s5], s20  }
0x9e: {  	_ =	swait.ge [sflag:s22], s20  }
0x9f: {  	s4 =	ssub.s32 $0x0, s20;
	[sflag:s22] =	ssyncset.done $0x0  }
0xa0: {  	[sflag:s22] =	ssyncadd.s32 s4;
	_ =	sdelay $0x1  }
0xa1: {  	s23 =	simm.s32 $0x1B8B  }
0xa2: {  	_ =	swait.ge [sflag:s23], $0x1  }
0xa3: {  	[sflag:s23] =	ssyncset.done $0x0  }
0xa4: {  	s25 =	simm.s32 $0x1B8E;
	s24 =	sld [smem:$0x3FFE];
	[sflag:s23] =	ssyncadd.s32 $0xFFFFFFFF  }
0xa5: {  	s26 =	simm.s32 $execute0_lowered;
	[smem:$0x3FD2] =	sst s25  }
0xa6: {  	s5 =	sshll.u32 s26, $0x1;
	_ =	strace $0x80000046;
	[dreg:$0x1] =	wrdreg $0xFFFFFFFF  }
0xa7: {  	s28 =	simm.s32 $_size_execute0_lowered;
	s3 =	sadd.s32 s3, s5;
	[dreg:$0x0] =	wrdreg $0x0  }
0xa8: {  	s5 =	sshll.u32 s28, $0x1;
	[dreg:$0x2] =	wrdreg s3  }
0xa9: {  	[dreg:$0x3] =	wrdreg s5  }
0xaa: {  	[dreg:$0x4] =	wrdreg $0xC0  }
0xab: {  	_ =	task [dreg:s7], $0x5FFFF  }
0xac: {  	[dreg:$0x1] =	wrdreg $0xFFFFFFFF  }
0xad: {  	[dreg:$0x0] =	wrdreg $0x60  }
0xae: {  	[dreg:$0x2] =	wrdreg s24  }
0xaf: {  	[dreg:$0x3] =	wrdreg s2  }
0xb0: {  	[dreg:$0x4] =	wrdreg $0x64000  }
0xb1: {  	[dreg:$0x5] =	wrdreg $0x9  }
0xb2: {  	_ =	task.clear_ibuf [dreg:s7], $0x6FFFF;
	_ =	strace $0x90000046  }
0xb3: {  	s29 =	simm.s32 $0x9;
	_ =	strace $0x80000048  }
0xb4: {  	_ =	swait.ge [sflag:s29], $0x1  }
0xb5: {  	[sflag:s29] =	ssyncadd.s32 $0xFFFFFFFF  }
0xb6: {  	_ =	strace $0x90000048  }
0xb7: {  	_ =	sfence  }
0xb8: {  	s30 =	sld [smem:$0x0];
	_ =	sdelay $0x2  }
0xb9: {  	s31 =	sshll.u32 s1, $0xD;
	s1 =	sshrl.u32 s1, $0x2  }
0xba: {  	s3 =	sand.u32 $0x4000, s31;
	s1 =	sadd.s32 s1, s30  }
0xbb: {  	s0 =	sor.u32 s3, s0;
	s1 =	sshll.u32 s1, $0x11  }
0xbc: {  	s0 =	sor.u32 s1, s0  }
0xbd: {  	s0 =	sadd.s32 $0x8F2B, s0  }
0xbe: {  	[sflag:s0] =	ssyncadd.remote.s32 $0x1  }
0xbf: {  	_ =	sfence.sel $0xFFFF  }
0xc0: {  	[dreg:$0x0] =	wrdreg $0xFFFFFFFF;
	(pc) =	sbr.abs _section_cstart, $3  }
0xc1: {  	[dreg:$0x1] =	wrdreg $0xFFFFFFFF  }
0xc2: {  	_ =	task.clear_ibuf [dreg:s7], $0x2FFFF;
	_ =	strace $0x9FFFFFFF  }
0xc3: {  	(tm) =	ssettm $0x7FFFFFFF  }
tec
execute0_lowered:
.L_overlay_start_1:
0x0: {  	(tag) =	ssettag $0x1  }
0x1: {  	s0 =	rddreg [dreg:$0x0]  }
0x2: {  	s2 =	rddreg [dreg:$0x1]  }
0x3: {  	s1 =	rddreg [dreg:$0x2]  }
0x4: {  	s3 =	srdreg.scid;
	s23 =	stileid.u32;
	s28 =	simm.s32 $0x1  }
0x5: {  	s29 =	simm.s32 $0x2;
	s30 =	simm.s32 $0x80;
	s31 =	simm.s32 $0x3  }
0x6: {  	s4 =	sand.u32 $0x1, s3;
	s3 =	simm.s32 $0x0;
	s10 =	smul.u32 $0x2A000, s23  }
0x7: {  	s9 =	sshll.u32 s23, $0xD;
	s18 =	smul.u32 $0xA800, s23;
	p0 =	seq.s32 s23, $0xF  }
0x8: {  	s5 =	sshll.u32 s4, $0x4;
	[smem:$0x7FF] =	sst s3;
	s7 =	ssub.s32 $0x2, s4  }
0x9: {  	s20 =	sand.u32 $0x2000, s9;
	s26 =	smul.u32 $0xA5600, s4;
	s5 =	sor.u32 s23, s5  }
0xa: {  	_ =	strace $0x80000047;
	s8 =	sshrl.u32 s7, $0x1;
	s22 =	sshrl.u32 s10, $0x2  }
0xb: {  	s23 =	simm.s32 $0x4400;
	s6 =	sshll.u32 s5, $0x7;
	s5 =	sshll.u32 s5, $0xD  }
0xc: {  	s21 =	ssub.s32 s7, s8;
	s24 =	sadd.s32 s22, s1;
	s7 =	sadd.s32 s18, s1  }
0xd: {  	s4 =	sadd.s32 s18, s26;
	s22 =	simm.s32 $0x2400;
	s6 =	sadd.s32 s6, s0  }
0xe: {  	s0 =	sadd.s32 $0x1600, s0;
	s5 =	sand.u32 $0x3C000, s5;
	s8 =	sadd.s32 $0x2000, s24  }
0xf: {  	s9 =	sadd.s32 $0x4000, s24;
	s10 =	sadd.s32 $0x6000, s24;
	s11 =	sadd.s32 $0x8000, s24  }
0x10: {  	s12 =	sadd.s32 $0xA000, s24;
	s4 =	sshrl.u32 s4, $0x3;
	s21 =	smax.u32 s21, $0x1  }
0x11: {  	s24 =	simm.s32 $0x400;
	s5 =	sor.u32 s20, s5;
	s6 =	sadd.s32 $0x600, s6  }
0x12: {  	s19 =	sadd.s32 s0, s4;
	[dreg:$0x4] =	wrdreg s6;
	s5 =	sadd.s32 s2, s5  }
0x13: {  	s2 =	sshrl.u32 s26, $0x3;
	s26 =	simm.s32 $0x4;
	s25 =	sadd.s32 $0x400, s5  }
0x14: {  	s13 =	sadd.s32 $0x800, s5;
	s14 =	sadd.s32 $0xC00, s5;
	s15 =	sadd.s32 $0x1000, s5  }
0x15: {  	s16 =	sadd.s32 $0x1400, s5;
	s17 =	sadd.s32 $0x1800, s5;
	s18 =	sadd.s32 $0x1C00, s5  }
0x16: {  	s2 =	sadd.s32 s0, s2;
	s0 =	sadd.s32 $0x9D800, s1;
	[dreg:$0x5] =	wrdreg s25  }
0x17: {  	v0 =	vimm.f32 $0.0e+00;
	s20 =	sadd.s32 $0x13B00, s2;
	s25 =	sshrl.u32 @p0 s0, $0x3;
	s0 =	simm.s32 $0x0  }
.LBB2_1:
0x18: {  	s2 =	rddreg [dreg:$0x4]  }
0x19: {  	[tilespmem:s3], [sflag:$0x1] =	stream.linear.gather [hbm4b:s2+s3], $0x400, $0x38;
	[tilespmem:$0x10C00] =	vst v63  }
0x1a: {  	_ = 	snop  }
0x1b: {  	[tilespmem:s22], [sflag:$0x2] =	stream.linear.gather [hbm4b:s5+s3], $0x2000, $0x38;
	[tilespmem:$0x10C00] =	vst v63  }
0x1c: {  	s6 =	rddreg [dreg:$0x5];
	s4 =	simm.s32 $0x100;
	s2 =	simm.s32 $0x0  }
0x1d: {  	[tilespmem:s23], [sflag:$0x3] =	stream.linear.gather [hbm4b:s6+s3], $0x2000, $0x38;
	[tilespmem:$0x10C00] =	vst v63  }
.LBB2_2:
0x1e: {  	p1 =	sne.s32 s4, $0x7F00;
	[tilespmem:s2+$0x430] =	vst v0;
	s6 =	smov.u32 s4;
	s4 =	sadd.s32 $0x100, s4  }
.Ltmp0:
0x1f: {  	[tilespmem:s2+$0x420] =	vst v0;
	(pc) =	sbr.rel @p1 .LBB2_2-.Ltmp0, $3  }
0x20: {  	[tilespmem:s2+$0x400] =	vst v0  }
0x21: {  	[tilespmem:s2+$0x410] =	vst v0;
	_ =	sdelay $0x1  }
0x22: {  	s2 =	sshra.s32 s6, $0x2  }
0x23: {  	[tilespmem:s2+$0x430] =	vst v0  }
0x24: {  	[tilespmem:s2+$0x420] =	vst v0  }
0x25: {  	[tilespmem:s2+$0x400] =	vst v0  }
0x26: {  	[tilespmem:s2+$0x410] =	vst v0  }
0x27: {  	[spmem:s7] =	stream.linear.scatter [tilespmem:s24], [sflag:$0x4], $0x2000, $0x38;
	[tilespmem:$0x10C00] =	vst v63  }
0x28: {  	_ =	swait.ge [sflag:s26], $0x2000  }
0x29: {  	[sflag:s26] =	ssyncset.done $0x0  }
0x2a: {  	[sflag:s26] =	ssyncadd.s32 $0xFFFFE000  }
0x2b: {  	[spmem:s8] =	stream.linear.scatter [tilespmem:s24], [sflag:$0x4], $0x2000, $0x38;
	[tilespmem:$0x10C00] =	vst v63  }
0x2c: {  	_ =	swait.ge [sflag:s26], $0x2000  }
0x2d: {  	[sflag:s26] =	ssyncset.done $0x0  }
0x2e: {  	[sflag:s26] =	ssyncadd.s32 $0xFFFFE000  }
0x2f: {  	[spmem:s9] =	stream.linear.scatter [tilespmem:s24], [sflag:$0x4], $0x2000, $0x38;
	[tilespmem:$0x10C00] =	vst v63  }
0x30: {  	_ =	swait.ge [sflag:s26], $0x2000  }
0x31: {  	[sflag:s26] =	ssyncset.done $0x0  }
0x32: {  	[sflag:s26] =	ssyncadd.s32 $0xFFFFE000  }
0x33: {  	[spmem:s10] =	stream.linear.scatter [tilespmem:s24], [sflag:$0x4], $0x2000, $0x38;
	[tilespmem:$0x10C00] =	vst v63  }
0x34: {  	_ =	swait.ge [sflag:s26], $0x2000  }
0x35: {  	[sflag:s26] =	ssyncset.done $0x0  }
0x36: {  	[sflag:s26] =	ssyncadd.s32 $0xFFFFE000  }
0x37: {  	[spmem:s11] =	stream.linear.scatter [tilespmem:s24], [sflag:$0x4], $0x2000, $0x38;
	[tilespmem:$0x10C00] =	vst v63  }
0x38: {  	_ =	swait.ge [sflag:s26], $0x2000  }
0x39: {  	[sflag:s26] =	ssyncset.done $0x0  }
0x3a: {  	[sflag:s26] =	ssyncadd.s32 $0xFFFFE000  }
0x3b: {  	[spmem:s12] =	stream.linear.scatter [tilespmem:s24], [sflag:$0x4], $0x800, $0x38;
	[tilespmem:$0x10C00] =	vst v63  }
0x3c: {  	_ =	swait.ge [sflag:s26], $0x800  }
0x3d: {  	[sflag:s26] =	ssyncset.done $0x0  }
0x3e: {  	[sflag:s26] =	ssyncadd.s32 $0xFFFFF800  }
0x3f: {  	[bflag:$0x0] =	sbarrier.arrive $0xFFFF  }
0x40: {  	_ =	swait.ge [sflag:s28], $0x400  }
0x41: {  	[sflag:s28] =	ssyncset.done $0x0  }
0x42: {  	[sflag:s28] =	ssyncadd.s32 $0xFFFFFC00  }
0x43: {  	_ =	swait.ge [sflag:s29], $0x2000  }
0x44: {  	[sflag:s29] =	ssyncset.done $0x0  }
0x45: {  	[sflag:s29] =	ssyncadd.s32 $0xFFFFE000  }
0x46: {  	[spmem:s1] =	stream.indirect.scatter.add.f32 [tilespmem:s22], [sflag:$0x4], $0x40, s3, s30, $0xb8;
	[tilespmem:$0x10C00] =	vst v63  }
0x47: {  	_ =	swait.ge [sflag:s26], $0x2000  }
0x48: {  	[sflag:s26] =	ssyncset.done $0x0  }
0x49: {  	[sflag:s26] =	ssyncadd.s32 $0xFFFFE000  }
0x4a: {  	[tilespmem:s22], [sflag:$0x2] =	stream.linear.gather [hbm4b:s13+s3], $0x2000, $0x38;
	[tilespmem:$0x10C00] =	vst v63  }
0x4b: {  	_ =	swait.ge [sflag:s31], $0x2000  }
0x4c: {  	[sflag:s31] =	ssyncset.done $0x0  }
0x4d: {  	[sflag:s31] =	ssyncadd.s32 $0xFFFFE000  }
0x4e: {  	[spmem:s1] =	stream.indirect.scatter.add.f32 [tilespmem:s23], [sflag:$0x4], $0x40, s30, s30, $0xb8;
	[tilespmem:$0x10C00] =	vst v63  }
0x4f: {  	_ =	swait.ge [sflag:s26], $0x2000  }
0x50: {  	[sflag:s26] =	ssyncset.done $0x0  }
0x51: {  	[sflag:s26] =	ssyncadd.s32 $0xFFFFE000  }
0x52: {  	[tilespmem:s23], [sflag:$0x3] =	stream.linear.gather [hbm4b:s14+s3], $0x2000, $0x38;
	[tilespmem:$0x10C00] =	vst v63  }
0x53: {  	_ =	swait.ge [sflag:s29], $0x2000  }
0x54: {  	[sflag:s29] =	ssyncset.done $0x0  }
0x55: {  	s4 =	simm.s32 $0x100;
	[sflag:s29] =	ssyncadd.s32 $0xFFFFE000  }
0x56: {  	[spmem:s1] =	stream.indirect.scatter.add.f32 [tilespmem:s22], [sflag:$0x4], $0x40, s4, s30, $0xb8;
	[tilespmem:$0x10C00] =	vst v63  }
0x57: {  	_ =	swait.ge [sflag:s26], $0x2000  }
0x58: {  	[sflag:s26] =	ssyncset.done $0x0  }
0x59: {  	[sflag:s26] =	ssyncadd.s32 $0xFFFFE000  }
0x5a: {  	[tilespmem:s22], [sflag:$0x2] =	stream.linear.gather [hbm4b:s15+s3], $0x2000, $0x38;
	[tilespmem:$0x10C00] =	vst v63  }
0x5b: {  	_ =	swait.ge [sflag:s31], $0x2000  }
0x5c: {  	[sflag:s31] =	ssyncset.done $0x0  }
0x5d: {  	s6 =	simm.s32 $0x180;
	[sflag:s31] =	ssyncadd.s32 $0xFFFFE000  }
0x5e: {  	[spmem:s1] =	stream.indirect.scatter.add.f32 [tilespmem:s23], [sflag:$0x4], $0x40, s6, s30, $0xb8;
	[tilespmem:$0x10C00] =	vst v63  }
0x5f: {  	_ =	swait.ge [sflag:s26], $0x2000  }
0x60: {  	[sflag:s26] =	ssyncset.done $0x0  }
0x61: {  	[sflag:s26] =	ssyncadd.s32 $0xFFFFE000  }
0x62: {  	[tilespmem:s23], [sflag:$0x3] =	stream.linear.gather [hbm4b:s16+s3], $0x2000, $0x38;
	[tilespmem:$0x10C00] =	vst v63  }
0x63: {  	_ =	swait.ge [sflag:s29], $0x2000  }
0x64: {  	[sflag:s29] =	ssyncset.done $0x0  }
0x65: {  	s4 =	simm.s32 $0x200;
	[sflag:s29] =	ssyncadd.s32 $0xFFFFE000  }
0x66: {  	[spmem:s1] =	stream.indirect.scatter.add.f32 [tilespmem:s22], [sflag:$0x4], $0x40, s4, s30, $0xb8;
	[tilespmem:$0x10C00] =	vst v63  }
0x67: {  	_ =	swait.ge [sflag:s26], $0x2000  }
0x68: {  	[sflag:s26] =	ssyncset.done $0x0  }
0x69: {  	[sflag:s26] =	ssyncadd.s32 $0xFFFFE000  }
0x6a: {  	[tilespmem:s22], [sflag:$0x2] =	stream.linear.gather [hbm4b:s17+s3], $0x2000, $0x38;
	[tilespmem:$0x10C00] =	vst v63  }
0x6b: {  	_ =	swait.ge [sflag:s31], $0x2000  }
0x6c: {  	[sflag:s31] =	ssyncset.done $0x0  }
0x6d: {  	s6 =	simm.s32 $0x280;
	[sflag:s31] =	ssyncadd.s32 $0xFFFFE000  }
0x6e: {  	[spmem:s1] =	stream.indirect.scatter.add.f32 [tilespmem:s23], [sflag:$0x4], $0x40, s6, s30, $0xb8;
	[tilespmem:$0x10C00] =	vst v63  }
0x6f: {  	_ =	swait.ge [sflag:s26], $0x2000  }
0x70: {  	[sflag:s26] =	ssyncset.done $0x0  }
0x71: {  	[sflag:s26] =	ssyncadd.s32 $0xFFFFE000  }
0x72: {  	[tilespmem:s23], [sflag:$0x3] =	stream.linear.gather [hbm4b:s18+s3], $0x2000, $0x38;
	[tilespmem:$0x10C00] =	vst v63  }
0x73: {  	_ =	swait.ge [sflag:s29], $0x2000  }
0x74: {  	[sflag:s29] =	ssyncset.done $0x0  }
0x75: {  	s4 =	simm.s32 $0x300;
	[sflag:s29] =	ssyncadd.s32 $0xFFFFE000  }
0x76: {  	[spmem:s1] =	stream.indirect.scatter.add.f32 [tilespmem:s22], [sflag:$0x4], $0x40, s4, s30, $0xb8;
	[tilespmem:$0x10C00] =	vst v63  }
0x77: {  	_ =	swait.ge [sflag:s26], $0x2000  }
0x78: {  	[sflag:s26] =	ssyncset.done $0x0  }
0x79: {  	[sflag:s26] =	ssyncadd.s32 $0xFFFFE000  }
0x7a: {  	_ =	swait.ge [sflag:s31], $0x2000  }
0x7b: {  	[sflag:s31] =	ssyncset.done $0x0  }
0x7c: {  	s6 =	simm.s32 $0x380;
	[sflag:s31] =	ssyncadd.s32 $0xFFFFE000  }
0x7d: {  	[spmem:s1] =	stream.indirect.scatter.add.f32 [tilespmem:s23], [sflag:$0x4], $0x40, s6, s30, $0xb8;
	[tilespmem:$0x10C00] =	vst v63  }
0x7e: {  	_ =	swait.ge [sflag:s26], $0x2000  }
0x7f: {  	[sflag:s26] =	ssyncset.done $0x0  }
0x80: {  	[sflag:s26] =	ssyncadd.s32 $0xFFFFE000  }
0x81: {  	s2 =	simm.s32 @p0 $0x1FC4;
	[bflag:$0x0] =	sbarrier.arrive $0xFFFF  }
0x82: {  	[hbm:s20], [sflag:s2] =	dma.local @p0 [spmem:s25], $0xFC0  }
0x83: {  	s2 =	simm.s32 @p0 $0x4  }
0x84: {  	s0 =	sadd.s32 $0x1, s0;
	s4 =	stileid.u32;
	_ =	swait.ge @p0 [sflag:s2], $0xFC0  }
0x85: {  	p1 =	sne.s32 s0, s21;
	s4 =	sshll.u32 @!p0 s4, $0x6;
	[sflag:s2] =	ssyncset.done @p0 $0x0  }
0x86: {  	[sflag:s2] =	ssyncadd.s32 @p0 $0xFFFFF040;
	s2 =	sor.u32 @!p0 $0x1C04, s4;
	s4 =	sshrl.u32 @!p0 s7, $0x3  }
0x87: {  	[hbm:s19], [sflag:s2] =	dma.local @!p0 [spmem:s4], $0x1500  }
.Ltmp1:
0x88: {  	_ = 	snop;
	(pc) =	sbr.rel @p1 .LBB2_1-.Ltmp1, $4  }
0x89: {  	s2 =	simm.s32 @!p0 $0x4  }
0x8a: {  	_ =	swait.ge @!p0 [sflag:s2], $0x1500  }
0x8b: {  	[sflag:s2] =	ssyncset.done @!p0 $0x0  }
0x8c: {  	[sflag:s2] =	ssyncadd.s32 @!p0 $0xFFFFEB00  }
0x8d: {  	_ =	sfence.sel $0x180000  }
0x8e: {  	[bflag:$0x0] =	sbarrier.arrive $0xFFFF  }
0x8f: {  	_ =	strace $0x90000047  }
0x90: {  	s0 =	stileid.u32;
	[bflag:$0x2] =	sbarrier.arrive $0xFFFF  }
0x91: {  	p0 =	sne.s32 s0, $0x0;
	s0 =	rddreg [dreg:$0x3]  }
0x92: {  	s0 =	sadd.s32 @!p0 $0x100000, s0  }
0x93: {  	[sflag:s0] =	ssyncadd.tile.s32 @!p0 $0x1;
	_ =	shalt  }
.Lfunc_end2:
_tile_overlayer_lowered:
.L_overlay_start_2:
0x94: {  	(tag) =	ssettag $0x2  }
0x95: {  	s0 =	rddreg [dreg:$0x0];
	s2 =	stileid.u32  }
0x96: {  	s1 =	rddreg [dreg:$0x1];
	p0 =	sne.s32 s2, $0x0  }
0x97: {  	s3 =	rddreg [dreg:$0x2];
	[bflag:$0x3] =	sbarrier.arrive $0xFFFF;
	s2 =	simm.s32 @!p0 $0x1C04  }
0x98: {  	[timem:s3], [sflag:s2] =	dma.local @!p0 [hbm:s0], s1  }
0x99: {  	s0 =	simm.s32 @!p0 $0x4  }
0x9a: {  	_ =	swait.ge @!p0 [sflag:s0], s1  }
0x9b: {  	s1 =	ssub.s32 @!p0 $0x0, s1;
	[sflag:s0] =	ssyncset.done @!p0 $0x0  }
0x9c: {  	[sflag:s0] =	ssyncadd.s32 @!p0 s1  }
0x9d: {  	[bflag:$0x3] =	sbarrier.arrive $0xFFFF  }
0x9e: {  	_ =	shalt  }

</sc_bundles>
